<compile_context>
chip_gen: v7x
topology: tpu7x:2x2x1
jax: 0.10.2.dev20260603
libtpu: 0.0.44.dev20260713+nightly
codegen_flags: <defaults>
</compile_context>

<pallas_src>
import functools

import jax
import jax.numpy as jnp
from jax import lax
from jax.experimental import pallas as pl
from jax.experimental.pallas import tpu as pltpu
from jax.experimental.pallas import tpu_sc as plsc

_NC = 2
_NS = 16
_NW = _NC * _NS
_L = 16
_K = 8
_P = 2


def _body(batch, n, x_hbm, perm_hbm, y_hbm, ld_hbm,
          perm_v, in0, in1, out0, out1, zv,
          si0, si1, so0, so1):
    rows_per_tile = batch // _NW
    nch = rows_per_tile // _K
    halfn = n // _P
    nj = halfn // _L
    cid = lax.axis_index("c")
    sid = lax.axis_index("s")
    wid = sid * _NC + cid
    row0 = wid * rows_per_tile

    pltpu.sync_copy(perm_hbm, perm_v)

    zvec = jnp.zeros((_L,), jnp.float32)

    def _zero(i, carry):
        zv[pl.ds(i * _L, _L)] = zvec
        return carry

    lax.fori_loop(0, rows_per_tile // _L, _zero, 0)
    pltpu.sync_copy(zv, ld_hbm.at[pl.ds(row0, rows_per_tile)])

    ins = (in0, in1)
    outs = (out0, out1)
    isems = (si0, si1)
    osems = (so0, so1)

    def crow(c):
        return row0 + c * _K

    def in_copy(c, b):
        return pltpu.make_async_copy(
            x_hbm.at[pl.ds(crow(c), _K)], ins[b], isems[b])

    def out_copy(c, p):
        return pltpu.make_async_copy(
            outs[p],
            y_hbm.at[pl.ds(crow(c), _K), pl.ds(p * halfn, halfn)],
            osems[p])

    in_copy(0, 0).start()

    rvec = [jnp.full((_L,), r, jnp.int32) for r in range(_K)]

    def chunk_pair(h, carry):
        for b in range(2):
            c = h * 2 + b

            @pl.when(c + 1 < nch)
            def _start_next():
                in_copy(c + 1, 1 - b).start()

            in_copy(c, b).wait()
            ib = ins[b]

            for p in range(_P):
                @pl.when(c >= 1)
                def _free_out():
                    out_copy(c - 1, p).wait()

                ob = outs[p]
                j0 = p * nj

                @plsc.parallel_loop(0, nj, unroll=8)
                def _jbody(jj):
                    idx = perm_v[pl.ds((j0 + jj) * _L, _L)]
                    for r in range(_K):
                        ob[r, pl.ds(jj * _L, _L)] = (
                            plsc.load_gather(ib, [rvec[r], idx]))
                out_copy(c, p).start()
        return carry

    lax.fori_loop(0, nch // 2, chunk_pair, 0)
    out_copy(nch - 1, 0).wait()
    out_copy(nch - 1, 1).wait()


def kernel(x, perm):
    batch, n = x.shape
    perm = perm.astype(jnp.int32)
    mesh = plsc.VectorSubcoreMesh(core_axis_name="c", subcore_axis_name="s")
    call = pl.kernel(
        functools.partial(_body, batch, n),
        out_type=(
            jax.ShapeDtypeStruct((batch, n), x.dtype),
            jax.ShapeDtypeStruct((batch,), x.dtype),
        ),
        mesh=mesh,
        compiler_params=pltpu.CompilerParams(needs_layout_passes=False),
        scratch_types=[
            pltpu.VMEM((n,), jnp.int32),
            pltpu.VMEM((_K, n), jnp.float32),
            pltpu.VMEM((_K, n), jnp.float32),
            pltpu.VMEM((_K, n // _P), jnp.float32),
            pltpu.VMEM((_K, n // _P), jnp.float32),
            pltpu.VMEM((batch // _NW,), jnp.float32),
            pltpu.SemaphoreType.DMA,
            pltpu.SemaphoreType.DMA,
            pltpu.SemaphoreType.DMA,
            pltpu.SemaphoreType.DMA,
        ],
    )
    y, log_det = call(x, perm)
    return y, log_det

# --- scband reference (transcript-rebuilt; emitter-appended) ---
"""Pipeline reference for scband-permutation-layer-28741921145379 (READ-ONLY COPY).

The authoritative reference and input builder live on the scoring server;
editing this copy changes nothing except your own understanding.
"""

import jax, jax.numpy as jnp
import numpy as np

INPUT_SIZE = 4096
BATCH = 16384

def setup_inputs(seed: int = 0) -> dict:
    key = jax.random.key(seed)
    kx, kp = jax.random.split(key)
    x = jax.random.normal(kx, (BATCH, INPUT_SIZE), dtype=jnp.float32)
    perm = jax.random.permutation(kp, INPUT_SIZE)  # int32 permutation indices (module buffer)
    return {"x": x, "perm": perm}

def reference(x, perm):
    # Faithful translation of PermutationLayer.forward:
    #   return (x[:, permutation_indices], zeros(batch))
    y = jnp.take(x, perm, axis=1)
    log_det = jnp.zeros((x.shape[0],), dtype=x.dtype)
    return (y, log_det)

if __name__ == "__main__":
    import jax
    _d = setup_inputs()
    print(jax.jit(kernel)(*tuple(_d.values())))

</pallas_src>

<mosaic_0001>
#map = affine_map<(d0, d1) -> (0, 0)>
#map1 = affine_map<(d0, d1) -> (0)>
module attributes {stable_mosaic.version = 14 : i64} {
  func.func @_body(%arg0: i32, %arg1: i32, %arg2: memref<16384x4096xf32, #tpu.memory_space<hbm>>, %arg3: memref<4096xi32, #tpu.memory_space<hbm>>, %arg4: memref<16384x4096xf32, #tpu.memory_space<hbm>>, %arg5: memref<16384xf32, #tpu.memory_space<hbm>>, %arg6: memref<4096xi32, #tpu.memory_space<vmem>>, %arg7: memref<8x4096xf32, #tpu.memory_space<vmem>>, %arg8: memref<8x4096xf32, #tpu.memory_space<vmem>>, %arg9: memref<8x2048xf32, #tpu.memory_space<vmem>>, %arg10: memref<8x2048xf32, #tpu.memory_space<vmem>>, %arg11: memref<512xf32, #tpu.memory_space<vmem>>, %arg12: memref<!tpu.dma_semaphore, #tpu.memory_space<semaphore_mem>>, %arg13: memref<!tpu.dma_semaphore, #tpu.memory_space<semaphore_mem>>, %arg14: memref<!tpu.dma_semaphore, #tpu.memory_space<semaphore_mem>>, %arg15: memref<!tpu.dma_semaphore, #tpu.memory_space<semaphore_mem>>) attributes {dimension_semantics = [#tpu.dimension_semantics<core_parallel>, #tpu.dimension_semantics<subcore_parallel>], iteration_bounds = array<i64: 2, 16>, scalar_prefetch = 0 : i64, scratch_operands = 10 : i64, tpu.core_type = #tpu.core_type<sc_vector_subcore>, window_params = [{transform_indices = #map}, {transform_indices = #map1}, {transform_indices = #map}, {transform_indices = #map1}]} {
    %mul3A = arith.constant 2 : i32
    %mul3A_0 = arith.muli %arg1, %mul3A : i32
    %add3A = arith.addi %mul3A_0, %arg0 : i32
    %mul3A_1 = arith.constant 512 : i32
    %mul3A_2 = arith.muli %add3A, %mul3A_1 : i32
    "tpu.region"() ({
      %run_scoped3A = tpu.sem_alloc : memref<!tpu.dma_semaphore, #tpu.memory_space<semaphore_mem>>
      tpu.enqueue_dma source(%arg3 : memref<4096xi32, #tpu.memory_space<hbm>>) target(%arg6 : memref<4096xi32, #tpu.memory_space<vmem>>) target_semaphore(%run_scoped3A : memref<!tpu.dma_semaphore, #tpu.memory_space<semaphore_mem>>)
      tpu.wait_dma2 semaphore(%run_scoped3A : memref<!tpu.dma_semaphore, #tpu.memory_space<semaphore_mem>>) src(%arg3 : memref<4096xi32, #tpu.memory_space<hbm>>) dst(%arg6 : memref<4096xi32, #tpu.memory_space<vmem>>)
      tpu.yield
    }) : () -> ()
    %broadcast_in_dim3A = arith.constant 0.000000e+00 : f32
    %broadcast_in_dim3A_3 = vector.broadcast %broadcast_in_dim3A : f32 to vector<16xf32>
    %scan3A = arith.constant 0 : i32
    %scan3A_4 = arith.constant 0 : i32
    %scan3A_5 = arith.constant 32 : i32
    %scan3A_6 = arith.addi %scan3A_4, %scan3A_5 : i32
    %scan3A_7 = arith.constant 1 : i32
    scf.for %scan3A_47 = %scan3A_4 to %scan3A_6 step %scan3A_7  : i32 {
      %mul3A_48 = arith.constant 16 : i32
      %mul3A_49 = arith.muli %scan3A_47, %mul3A_48 : i32
      %swap3A = arith.index_cast %mul3A_49 : i32 to index
      %swap3A_50 = tpu.vector_load %arg11[%swap3A] {strides = array<i32>} : memref<512xf32, #tpu.memory_space<vmem>>, vector<16xf32>,
      tpu.vector_store %arg11[%swap3A], %broadcast_in_dim3A_3 {strides = array<i32>} : memref<512xf32, #tpu.memory_space<vmem>>, vector<16xf32>,
    }
    %scan3A_8 = arith.constant 32 : i32
    "tpu.region"() ({
      %run_scoped3A = tpu.sem_alloc : memref<!tpu.dma_semaphore, #tpu.memory_space<semaphore_mem>>
      %dma_start3A_47 = tpu.memref_slice %arg5[%mul3A_2] : memref<16384xf32, #tpu.memory_space<hbm>> -> memref<512xf32, #tpu.memory_space<hbm>>
      %dma_start3A_48 = tpu.memref_slice %arg5[%mul3A_2] : memref<16384xf32, #tpu.memory_space<hbm>> -> memref<512xf32, #tpu.memory_space<hbm>>
      tpu.enqueue_dma source(%arg11 : memref<512xf32, #tpu.memory_space<vmem>>) target(%dma_start3A_48 : memref<512xf32, #tpu.memory_space<hbm>>) target_semaphore(%run_scoped3A : memref<!tpu.dma_semaphore, #tpu.memory_space<semaphore_mem>>)
      %dma_wait3A_49 = tpu.memref_slice %arg5[%mul3A_2] : memref<16384xf32, #tpu.memory_space<hbm>> -> memref<512xf32, #tpu.memory_space<hbm>>
      %dma_wait3A_50 = tpu.memref_slice %arg5[%mul3A_2] : memref<16384xf32, #tpu.memory_space<hbm>> -> memref<512xf32, #tpu.memory_space<hbm>>
      tpu.wait_dma2 semaphore(%run_scoped3A : memref<!tpu.dma_semaphore, #tpu.memory_space<semaphore_mem>>) src(%arg11 : memref<512xf32, #tpu.memory_space<vmem>>) dst(%dma_wait3A_50 : memref<512xf32, #tpu.memory_space<hbm>>)
      tpu.yield
    }) : () -> ()
    %add3A_9 = arith.constant 0 : i32
    %add3A_10 = arith.addi %mul3A_2, %add3A_9 : i32
    %dma_start3A = arith.constant 0 : i32
    %dma_start3A_11 = tpu.memref_slice %arg2[%add3A_10, %dma_start3A] : memref<16384x4096xf32, #tpu.memory_space<hbm>> -> memref<8x4096xf32, #tpu.memory_space<hbm>>
    %dma_start3A_12 = arith.constant 0 : i32
    %dma_start3A_13 = tpu.memref_slice %arg2[%add3A_10, %dma_start3A_12] : memref<16384x4096xf32, #tpu.memory_space<hbm>> -> memref<8x4096xf32, #tpu.memory_space<hbm>>
    tpu.enqueue_dma source(%dma_start3A_13 : memref<8x4096xf32, #tpu.memory_space<hbm>>) target(%arg7 : memref<8x4096xf32, #tpu.memory_space<vmem>>) target_semaphore(%arg12 : memref<!tpu.dma_semaphore, #tpu.memory_space<semaphore_mem>>)
    %broadcast_in_dim3A_14 = arith.constant 0 : i32
    %broadcast_in_dim3A_15 = vector.broadcast %broadcast_in_dim3A_14 : i32 to vector<16xi32>
    %broadcast_in_dim3A_16 = arith.constant 1 : i32
    %broadcast_in_dim3A_17 = vector.broadcast %broadcast_in_dim3A_16 : i32 to vector<16xi32>
    %broadcast_in_dim3A_18 = arith.constant 2 : i32
    %broadcast_in_dim3A_19 = vector.broadcast %broadcast_in_dim3A_18 : i32 to vector<16xi32>
    %broadcast_in_dim3A_20 = arith.constant 3 : i32
    %broadcast_in_dim3A_21 = vector.broadcast %broadcast_in_dim3A_20 : i32 to vector<16xi32>
    %broadcast_in_dim3A_22 = arith.constant 4 : i32
    %broadcast_in_dim3A_23 = vector.broadcast %broadcast_in_dim3A_22 : i32 to vector<16xi32>
    %broadcast_in_dim3A_24 = arith.constant 5 : i32
    %broadcast_in_dim3A_25 = vector.broadcast %broadcast_in_dim3A_24 : i32 to vector<16xi32>
    %broadcast_in_dim3A_26 = arith.constant 6 : i32
    %broadcast_in_dim3A_27 = vector.broadcast %broadcast_in_dim3A_26 : i32 to vector<16xi32>
    %broadcast_in_dim3A_28 = arith.constant 7 : i32
    %broadcast_in_dim3A_29 = vector.broadcast %broadcast_in_dim3A_28 : i32 to vector<16xi32>
    %scan3A_30 = arith.constant 0 : i32
    %scan3A_31 = arith.constant 0 : i32
    %scan3A_32 = arith.constant 32 : i32
    %scan3A_33 = arith.addi %scan3A_31, %scan3A_32 : i32
    %scan3A_34 = arith.constant 1 : i32
    scf.for %scan3A_47 = %scan3A_31 to %scan3A_33 step %scan3A_34  : i32 {
      %mul3A_48 = arith.constant 2 : i32
      %mul3A_49 = arith.muli %scan3A_47, %mul3A_48 : i32
      %add3A_50 = arith.constant 0 : i32
      %add3A_51 = arith.addi %mul3A_49, %add3A_50 : i32
      %add3A_52 = arith.constant 1 : i32
      %add3A_53 = arith.addi %add3A_51, %add3A_52 : i32
      %lt3A = arith.constant 64 : i32
      %lt3A_54 = arith.cmpi slt, %add3A_53, %lt3A : i32
      %convert_element_type3A = arith.extui %lt3A_54 : i1 to i32
      %cond3A = arith.constant 0 : i32
      %cond3A_55 = arith.cmpi ne, %convert_element_type3A, %cond3A : i32
      scf.if %cond3A_55 {
        %add3A_139 = arith.constant 1 : i32
        %add3A_140 = arith.addi %add3A_51, %add3A_139 : i32
        %mul3A_141 = arith.constant 8 : i32
        %mul3A_142 = arith.muli %add3A_140, %mul3A_141 : i32
        %add3A_143 = arith.addi %mul3A_2, %mul3A_142 : i32
        %dma_start3A_144 = arith.constant 0 : i32
        %dma_start3A_145 = tpu.memref_slice %arg2[%add3A_143, %dma_start3A_144] : memref<16384x4096xf32, #tpu.memory_space<hbm>> -> memref<8x4096xf32, #tpu.memory_space<hbm>>
        %dma_start3A_146 = arith.constant 0 : i32
        %dma_start3A_147 = tpu.memref_slice %arg2[%add3A_143, %dma_start3A_146] : memref<16384x4096xf32, #tpu.memory_space<hbm>> -> memref<8x4096xf32, #tpu.memory_space<hbm>>
        tpu.enqueue_dma source(%dma_start3A_147 : memref<8x4096xf32, #tpu.memory_space<hbm>>) target(%arg8 : memref<8x4096xf32, #tpu.memory_space<vmem>>) target_semaphore(%arg13 : memref<!tpu.dma_semaphore, #tpu.memory_space<semaphore_mem>>)
      } else {
      }
      %mul3A_56 = arith.constant 8 : i32
      %mul3A_57 = arith.muli %add3A_51, %mul3A_56 : i32
      %add3A_58 = arith.addi %mul3A_2, %mul3A_57 : i32
      %dma_wait3A_59 = arith.constant 0 : i32
      %dma_wait3A_60 = tpu.memref_slice %arg2[%add3A_58, %dma_wait3A_59] : memref<16384x4096xf32, #tpu.memory_space<hbm>> -> memref<8x4096xf32, #tpu.memory_space<hbm>>
      %dma_wait3A_61 = arith.constant 0 : i32
      %dma_wait3A_62 = tpu.memref_slice %arg2[%add3A_58, %dma_wait3A_61] : memref<16384x4096xf32, #tpu.memory_space<hbm>> -> memref<8x4096xf32, #tpu.memory_space<hbm>>
      tpu.wait_dma2 semaphore(%arg12 : memref<!tpu.dma_semaphore, #tpu.memory_space<semaphore_mem>>) src(%dma_wait3A_62 : memref<8x4096xf32, #tpu.memory_space<hbm>>) dst(%arg7 : memref<8x4096xf32, #tpu.memory_space<vmem>>)
      %ge3A = arith.constant 1 : i32
      %ge3A_63 = arith.cmpi sge, %add3A_51, %ge3A : i32
      %convert_element_type3A_64 = arith.extui %ge3A_63 : i1 to i32
      %cond3A_65 = arith.constant 0 : i32
      %cond3A_66 = arith.cmpi ne, %convert_element_type3A_64, %cond3A_65 : i32
      scf.if %cond3A_66 {
        %sub3A = arith.constant 1 : i32
        %sub3A_139 = arith.subi %add3A_51, %sub3A : i32
        %mul3A_140 = arith.constant 8 : i32
        %mul3A_141 = arith.muli %sub3A_139, %mul3A_140 : i32
        %add3A_142 = arith.addi %mul3A_2, %mul3A_141 : i32
        %dma_wait3A_143 = arith.constant 0 : i32
        %dma_wait3A_144 = tpu.memref_slice %arg4[%add3A_142, %dma_wait3A_143] : memref<16384x4096xf32, #tpu.memory_space<hbm>> -> memref<8x2048xf32, #tpu.memory_space<hbm>>
        %dma_wait3A_145 = arith.constant 0 : i32
        %dma_wait3A_146 = tpu.memref_slice %arg4[%add3A_142, %dma_wait3A_145] : memref<16384x4096xf32, #tpu.memory_space<hbm>> -> memref<8x2048xf32, #tpu.memory_space<hbm>>
        tpu.wait_dma2 semaphore(%arg14 : memref<!tpu.dma_semaphore, #tpu.memory_space<semaphore_mem>>) src(%arg9 : memref<8x2048xf32, #tpu.memory_space<vmem>>) dst(%dma_wait3A_146 : memref<8x2048xf32, #tpu.memory_space<hbm>>)
      } else {
      }
      %parallel_loop3A = arith.constant 0 : i32
      %parallel_loop3A_67 = arith.constant 128 : i32
      %parallel_loop3A_68 = arith.constant 1 : i32
      scf.for %parallel_loop3A_139 = %parallel_loop3A to %parallel_loop3A_67 step %parallel_loop3A_68  : i32 {
        %parallel_loop3A_140 = arith.constant 0 : i32
        %parallel_loop3A_141 = arith.addi %parallel_loop3A_140, %parallel_loop3A_139 : i32
        %parallel_loop3A_142 = arith.constant 16 : i32
        %parallel_loop3A_143 = arith.muli %parallel_loop3A_141, %parallel_loop3A_142 : i32
        %parallel_loop3A_144 = arith.index_cast %parallel_loop3A_143 : i32 to index
        %parallel_loop3A_145 = tpu.vector_load %arg6[%parallel_loop3A_144] {strides = array<i32>} : memref<4096xi32, #tpu.memory_space<vmem>>, vector<16xi32>,
        %parallel_loop3A_146 = tpu.vector_load_idx %arg7[%broadcast_in_dim3A_15, %parallel_loop3A_145] : memref<8x4096xf32, #tpu.memory_space<vmem>>[vector<16xi32>, vector<16xi32>], vector<16xf32>,
        %parallel_loop3A_147 = arith.constant 16 : i32
        %parallel_loop3A_148 = arith.muli %parallel_loop3A_139, %parallel_loop3A_147 : i32
        %parallel_loop3A_149 = arith.constant 0 : i32
        %parallel_loop3A_150 = arith.index_cast %parallel_loop3A_149 : i32 to index
        %parallel_loop3A_151 = arith.index_cast %parallel_loop3A_148 : i32 to index
        %parallel_loop3A_152 = tpu.vector_load %arg9[%parallel_loop3A_150, %parallel_loop3A_151] {strides = array<i32>} : memref<8x2048xf32, #tpu.memory_space<vmem>>, vector<16xf32>,
        tpu.vector_store %arg9[%parallel_loop3A_150, %parallel_loop3A_151], %parallel_loop3A_146 {strides = array<i32>} : memref<8x2048xf32, #tpu.memory_space<vmem>>, vector<16xf32>,
        %parallel_loop3A_153 = tpu.vector_load_idx %arg7[%broadcast_in_dim3A_17, %parallel_loop3A_145] : memref<8x4096xf32, #tpu.memory_space<vmem>>[vector<16xi32>, vector<16xi32>], vector<16xf32>,
        %parallel_loop3A_154 = arith.constant 16 : i32
        %parallel_loop3A_155 = arith.muli %parallel_loop3A_139, %parallel_loop3A_154 : i32
        %parallel_loop3A_156 = arith.constant 1 : i32
        %parallel_loop3A_157 = arith.index_cast %parallel_loop3A_156 : i32 to index
        %parallel_loop3A_158 = arith.index_cast %parallel_loop3A_155 : i32 to index
        %parallel_loop3A_159 = tpu.vector_load %arg9[%parallel_loop3A_157, %parallel_loop3A_158] {strides = array<i32>} : memref<8x2048xf32, #tpu.memory_space<vmem>>, vector<16xf32>,
        tpu.vector_store %arg9[%parallel_loop3A_157, %parallel_loop3A_158], %parallel_loop3A_153 {strides = array<i32>} : memref<8x2048xf32, #tpu.memory_space<vmem>>, vector<16xf32>,
        %parallel_loop3A_160 = tpu.vector_load_idx %arg7[%broadcast_in_dim3A_19, %parallel_loop3A_145] : memref<8x4096xf32, #tpu.memory_space<vmem>>[vector<16xi32>, vector<16xi32>], vector<16xf32>,
        %parallel_loop3A_161 = arith.constant 16 : i32
        %parallel_loop3A_162 = arith.muli %parallel_loop3A_139, %parallel_loop3A_161 : i32
        %parallel_loop3A_163 = arith.constant 2 : i32
        %parallel_loop3A_164 = arith.index_cast %parallel_loop3A_163 : i32 to index
        %parallel_loop3A_165 = arith.index_cast %parallel_loop3A_162 : i32 to index
        %parallel_loop3A_166 = tpu.vector_load %arg9[%parallel_loop3A_164, %parallel_loop3A_165] {strides = array<i32>} : memref<8x2048xf32, #tpu.memory_space<vmem>>, vector<16xf32>,
        tpu.vector_store %arg9[%parallel_loop3A_164, %parallel_loop3A_165], %parallel_loop3A_160 {strides = array<i32>} : memref<8x2048xf32, #tpu.memory_space<vmem>>, vector<16xf32>,
        %parallel_loop3A_167 = tpu.vector_load_idx %arg7[%broadcast_in_dim3A_21, %parallel_loop3A_145] : memref<8x4096xf32, #tpu.memory_space<vmem>>[vector<16xi32>, vector<16xi32>], vector<16xf32>,
        %parallel_loop3A_168 = arith.constant 16 : i32
        %parallel_loop3A_169 = arith.muli %parallel_loop3A_139, %parallel_loop3A_168 : i32
        %parallel_loop3A_170 = arith.constant 3 : i32
        %parallel_loop3A_171 = arith.index_cast %parallel_loop3A_170 : i32 to index
        %parallel_loop3A_172 = arith.index_cast %parallel_loop3A_169 : i32 to index
        %parallel_loop3A_173 = tpu.vector_load %arg9[%parallel_loop3A_171, %parallel_loop3A_172] {strides = array<i32>} : memref<8x2048xf32, #tpu.memory_space<vmem>>, vector<16xf32>,
        tpu.vector_store %arg9[%parallel_loop3A_171, %parallel_loop3A_172], %parallel_loop3A_167 {strides = array<i32>} : memref<8x2048xf32, #tpu.memory_space<vmem>>, vector<16xf32>,
        %parallel_loop3A_174 = tpu.vector_load_idx %arg7[%broadcast_in_dim3A_23, %parallel_loop3A_145] : memref<8x4096xf32, #tpu.memory_space<vmem>>[vector<16xi32>, vector<16xi32>], vector<16xf32>,
        %parallel_loop3A_175 = arith.constant 16 : i32
        %parallel_loop3A_176 = arith.muli %parallel_loop3A_139, %parallel_loop3A_175 : i32
        %parallel_loop3A_177 = arith.constant 4 : i32
        %parallel_loop3A_178 = arith.index_cast %parallel_loop3A_177 : i32 to index
        %parallel_loop3A_179 = arith.index_cast %parallel_loop3A_176 : i32 to index
        %parallel_loop3A_180 = tpu.vector_load %arg9[%parallel_loop3A_178, %parallel_loop3A_179] {strides = array<i32>} : memref<8x2048xf32, #tpu.memory_space<vmem>>, vector<16xf32>,
        tpu.vector_store %arg9[%parallel_loop3A_178, %parallel_loop3A_179], %parallel_loop3A_174 {strides = array<i32>} : memref<8x2048xf32, #tpu.memory_space<vmem>>, vector<16xf32>,
        %parallel_loop3A_181 = tpu.vector_load_idx %arg7[%broadcast_in_dim3A_25, %parallel_loop3A_145] : memref<8x4096xf32, #tpu.memory_space<vmem>>[vector<16xi32>, vector<16xi32>], vector<16xf32>,
        %parallel_loop3A_182 = arith.constant 16 : i32
        %parallel_loop3A_183 = arith.muli %parallel_loop3A_139, %parallel_loop3A_182 : i32
        %parallel_loop3A_184 = arith.constant 5 : i32
        %parallel_loop3A_185 = arith.index_cast %parallel_loop3A_184 : i32 to index
        %parallel_loop3A_186 = arith.index_cast %parallel_loop3A_183 : i32 to index
        %parallel_loop3A_187 = tpu.vector_load %arg9[%parallel_loop3A_185, %parallel_loop3A_186] {strides = array<i32>} : memref<8x2048xf32, #tpu.memory_space<vmem>>, vector<16xf32>,
        tpu.vector_store %arg9[%parallel_loop3A_185, %parallel_loop3A_186], %parallel_loop3A_181 {strides = array<i32>} : memref<8x2048xf32, #tpu.memory_space<vmem>>, vector<16xf32>,
        %parallel_loop3A_188 = tpu.vector_load_idx %arg7[%broadcast_in_dim3A_27, %parallel_loop3A_145] : memref<8x4096xf32, #tpu.memory_space<vmem>>[vector<16xi32>, vector<16xi32>], vector<16xf32>,
        %parallel_loop3A_189 = arith.constant 16 : i32
        %parallel_loop3A_190 = arith.muli %parallel_loop3A_139, %parallel_loop3A_189 : i32
        %parallel_loop3A_191 = arith.constant 6 : i32
        %parallel_loop3A_192 = arith.index_cast %parallel_loop3A_191 : i32 to index
        %parallel_loop3A_193 = arith.index_cast %parallel_loop3A_190 : i32 to index
        %parallel_loop3A_194 = tpu.vector_load %arg9[%parallel_loop3A_192, %parallel_loop3A_193] {strides = array<i32>} : memref<8x2048xf32, #tpu.memory_space<vmem>>, vector<16xf32>,
        tpu.vector_store %arg9[%parallel_loop3A_192, %parallel_loop3A_193], %parallel_loop3A_188 {strides = array<i32>} : memref<8x2048xf32, #tpu.memory_space<vmem>>, vector<16xf32>,
        %parallel_loop3A_195 = tpu.vector_load_idx %arg7[%broadcast_in_dim3A_29, %parallel_loop3A_145] : memref<8x4096xf32, #tpu.memory_space<vmem>>[vector<16xi32>, vector<16xi32>], vector<16xf32>,
        %parallel_loop3A_196 = arith.constant 16 : i32
        %parallel_loop3A_197 = arith.muli %parallel_loop3A_139, %parallel_loop3A_196 : i32
        %parallel_loop3A_198 = arith.constant 7 : i32
        %parallel_loop3A_199 = arith.index_cast %parallel_loop3A_198 : i32 to index
        %parallel_loop3A_200 = arith.index_cast %parallel_loop3A_197 : i32 to index
        %parallel_loop3A_201 = tpu.vector_load %arg9[%parallel_loop3A_199, %parallel_loop3A_200] {strides = array<i32>} : memref<8x2048xf32, #tpu.memory_space<vmem>>, vector<16xf32>,
        tpu.vector_store %arg9[%parallel_loop3A_199, %parallel_loop3A_200], %parallel_loop3A_195 {strides = array<i32>} : memref<8x2048xf32, #tpu.memory_space<vmem>>, vector<16xf32>,
      } {sc.loop_unroll_factor = 8 : i64, sc.parallel_access}
      %mul3A_69 = arith.constant 8 : i32
      %mul3A_70 = arith.muli %add3A_51, %mul3A_69 : i32
      %add3A_71 = arith.addi %mul3A_2, %mul3A_70 : i32
      %dma_start3A_72 = arith.constant 0 : i32
      %dma_start3A_73 = tpu.memref_slice %arg4[%add3A_71, %dma_start3A_72] : memref<16384x4096xf32, #tpu.memory_space<hbm>> -> memref<8x2048xf32, #tpu.memory_space<hbm>>
      %dma_start3A_74 = arith.constant 0 : i32
      %dma_start3A_75 = tpu.memref_slice %arg4[%add3A_71, %dma_start3A_74] : memref<16384x4096xf32, #tpu.memory_space<hbm>> -> memref<8x2048xf32, #tpu.memory_space<hbm>>
      tpu.enqueue_dma source(%arg9 : memref<8x2048xf32, #tpu.memory_space<vmem>>) target(%dma_start3A_75 : memref<8x2048xf32, #tpu.memory_space<hbm>>) target_semaphore(%arg14 : memref<!tpu.dma_semaphore, #tpu.memory_space<semaphore_mem>>)
      %ge3A_76 = arith.constant 1 : i32
      %ge3A_77 = arith.cmpi sge, %add3A_51, %ge3A_76 : i32
      %convert_element_type3A_78 = arith.extui %ge3A_77 : i1 to i32
      %cond3A_79 = arith.constant 0 : i32
      %cond3A_80 = arith.cmpi ne, %convert_element_type3A_78, %cond3A_79 : i32
      scf.if %cond3A_80 {
        %sub3A = arith.constant 1 : i32
        %sub3A_139 = arith.subi %add3A_51, %sub3A : i32
        %mul3A_140 = arith.constant 8 : i32
        %mul3A_141 = arith.muli %sub3A_139, %mul3A_140 : i32
        %add3A_142 = arith.addi %mul3A_2, %mul3A_141 : i32
        %dma_wait3A_143 = arith.constant 2048 : i32
        %dma_wait3A_144 = tpu.memref_slice %arg4[%add3A_142, %dma_wait3A_143] : memref<16384x4096xf32, #tpu.memory_space<hbm>> -> memref<8x2048xf32, #tpu.memory_space<hbm>>
        %dma_wait3A_145 = arith.constant 2048 : i32
        %dma_wait3A_146 = tpu.memref_slice %arg4[%add3A_142, %dma_wait3A_145] : memref<16384x4096xf32, #tpu.memory_space<hbm>> -> memref<8x2048xf32, #tpu.memory_space<hbm>>
        tpu.wait_dma2 semaphore(%arg15 : memref<!tpu.dma_semaphore, #tpu.memory_space<semaphore_mem>>) src(%arg10 : memref<8x2048xf32, #tpu.memory_space<vmem>>) dst(%dma_wait3A_146 : memref<8x2048xf32, #tpu.memory_space<hbm>>)
      } else {
      }
      %parallel_loop3A_81 = arith.constant 0 : i32
      %parallel_loop3A_82 = arith.constant 128 : i32
      %parallel_loop3A_83 = arith.constant 1 : i32
      scf.for %parallel_loop3A_139 = %parallel_loop3A_81 to %parallel_loop3A_82 step %parallel_loop3A_83  : i32 {
        %parallel_loop3A_140 = arith.constant 128 : i32
        %parallel_loop3A_141 = arith.addi %parallel_loop3A_140, %parallel_loop3A_139 : i32
        %parallel_loop3A_142 = arith.constant 16 : i32
        %parallel_loop3A_143 = arith.muli %parallel_loop3A_141, %parallel_loop3A_142 : i32
        %parallel_loop3A_144 = arith.index_cast %parallel_loop3A_143 : i32 to index
        %parallel_loop3A_145 = tpu.vector_load %arg6[%parallel_loop3A_144] {strides = array<i32>} : memref<4096xi32, #tpu.memory_space<vmem>>, vector<16xi32>,
        %parallel_loop3A_146 = tpu.vector_load_idx %arg7[%broadcast_in_dim3A_15, %parallel_loop3A_145] : memref<8x4096xf32, #tpu.memory_space<vmem>>[vector<16xi32>, vector<16xi32>], vector<16xf32>,
        %parallel_loop3A_147 = arith.constant 16 : i32
        %parallel_loop3A_148 = arith.muli %parallel_loop3A_139, %parallel_loop3A_147 : i32
        %parallel_loop3A_149 = arith.constant 0 : i32
        %parallel_loop3A_150 = arith.index_cast %parallel_loop3A_149 : i32 to index
        %parallel_loop3A_151 = arith.index_cast %parallel_loop3A_148 : i32 to index
        %parallel_loop3A_152 = tpu.vector_load %arg10[%parallel_loop3A_150, %parallel_loop3A_151] {strides = array<i32>} : memref<8x2048xf32, #tpu.memory_space<vmem>>, vector<16xf32>,
        tpu.vector_store %arg10[%parallel_loop3A_150, %parallel_loop3A_151], %parallel_loop3A_146 {strides = array<i32>} : memref<8x2048xf32, #tpu.memory_space<vmem>>, vector<16xf32>,
        %parallel_loop3A_153 = tpu.vector_load_idx %arg7[%broadcast_in_dim3A_17, %parallel_loop3A_145] : memref<8x4096xf32, #tpu.memory_space<vmem>>[vector<16xi32>, vector<16xi32>], vector<16xf32>,
        %parallel_loop3A_154 = arith.constant 16 : i32
        %parallel_loop3A_155 = arith.muli %parallel_loop3A_139, %parallel_loop3A_154 : i32
        %parallel_loop3A_156 = arith.constant 1 : i32
        %parallel_loop3A_157 = arith.index_cast %parallel_loop3A_156 : i32 to index
        %parallel_loop3A_158 = arith.index_cast %parallel_loop3A_155 : i32 to index
        %parallel_loop3A_159 = tpu.vector_load %arg10[%parallel_loop3A_157, %parallel_loop3A_158] {strides = array<i32>} : memref<8x2048xf32, #tpu.memory_space<vmem>>, vector<16xf32>,
        tpu.vector_store %arg10[%parallel_loop3A_157, %parallel_loop3A_158], %parallel_loop3A_153 {strides = array<i32>} : memref<8x2048xf32, #tpu.memory_space<vmem>>, vector<16xf32>,
        %parallel_loop3A_160 = tpu.vector_load_idx %arg7[%broadcast_in_dim3A_19, %parallel_loop3A_145] : memref<8x4096xf32, #tpu.memory_space<vmem>>[vector<16xi32>, vector<16xi32>], vector<16xf32>,
        %parallel_loop3A_161 = arith.constant 16 : i32
        %parallel_loop3A_162 = arith.muli %parallel_loop3A_139, %parallel_loop3A_161 : i32
        %parallel_loop3A_163 = arith.constant 2 : i32
        %parallel_loop3A_164 = arith.index_cast %parallel_loop3A_163 : i32 to index
        %parallel_loop3A_165 = arith.index_cast %parallel_loop3A_162 : i32 to index
        %parallel_loop3A_166 = tpu.vector_load %arg10[%parallel_loop3A_164, %parallel_loop3A_165] {strides = array<i32>} : memref<8x2048xf32, #tpu.memory_space<vmem>>, vector<16xf32>,
        tpu.vector_store %arg10[%parallel_loop3A_164, %parallel_loop3A_165], %parallel_loop3A_160 {strides = array<i32>} : memref<8x2048xf32, #tpu.memory_space<vmem>>, vector<16xf32>,
        %parallel_loop3A_167 = tpu.vector_load_idx %arg7[%broadcast_in_dim3A_21, %parallel_loop3A_145] : memref<8x4096xf32, #tpu.memory_space<vmem>>[vector<16xi32>, vector<16xi32>], vector<16xf32>,
        %parallel_loop3A_168 = arith.constant 16 : i32
        %parallel_loop3A_169 = arith.muli %parallel_loop3A_139, %parallel_loop3A_168 : i32
        %parallel_loop3A_170 = arith.constant 3 : i32
        %parallel_loop3A_171 = arith.index_cast %parallel_loop3A_170 : i32 to index
        %parallel_loop3A_172 = arith.index_cast %parallel_loop3A_169 : i32 to index
        %parallel_loop3A_173 = tpu.vector_load %arg10[%parallel_loop3A_171, %parallel_loop3A_172] {strides = array<i32>} : memref<8x2048xf32, #tpu.memory_space<vmem>>, vector<16xf32>,
        tpu.vector_store %arg10[%parallel_loop3A_171, %parallel_loop3A_172], %parallel_loop3A_167 {strides = array<i32>} : memref<8x2048xf32, #tpu.memory_space<vmem>>, vector<16xf32>,
        %parallel_loop3A_174 = tpu.vector_load_idx %arg7[%broadcast_in_dim3A_23, %parallel_loop3A_145] : memref<8x4096xf32, #tpu.memory_space<vmem>>[vector<16xi32>, vector<16xi32>], vector<16xf32>,
        %parallel_loop3A_175 = arith.constant 16 : i32
        %parallel_loop3A_176 = arith.muli %parallel_loop3A_139, %parallel_loop3A_175 : i32
        %parallel_loop3A_177 = arith.constant 4 : i32
        %parallel_loop3A_178 = arith.index_cast %parallel_loop3A_177 : i32 to index
        %parallel_loop3A_179 = arith.index_cast %parallel_loop3A_176 : i32 to index
        %parallel_loop3A_180 = tpu.vector_load %arg10[%parallel_loop3A_178, %parallel_loop3A_179] {strides = array<i32>} : memref<8x2048xf32, #tpu.memory_space<vmem>>, vector<16xf32>,
        tpu.vector_store %arg10[%parallel_loop3A_178, %parallel_loop3A_179], %parallel_loop3A_174 {strides = array<i32>} : memref<8x2048xf32, #tpu.memory_space<vmem>>, vector<16xf32>,
        %parallel_loop3A_181 = tpu.vector_load_idx %arg7[%broadcast_in_dim3A_25, %parallel_loop3A_145] : memref<8x4096xf32, #tpu.memory_space<vmem>>[vector<16xi32>, vector<16xi32>], vector<16xf32>,
        %parallel_loop3A_182 = arith.constant 16 : i32
        %parallel_loop3A_183 = arith.muli %parallel_loop3A_139, %parallel_loop3A_182 : i32
        %parallel_loop3A_184 = arith.constant 5 : i32
        %parallel_loop3A_185 = arith.index_cast %parallel_loop3A_184 : i32 to index
        %parallel_loop3A_186 = arith.index_cast %parallel_loop3A_183 : i32 to index
        %parallel_loop3A_187 = tpu.vector_load %arg10[%parallel_loop3A_185, %parallel_loop3A_186] {strides = array<i32>} : memref<8x2048xf32, #tpu.memory_space<vmem>>, vector<16xf32>,
        tpu.vector_store %arg10[%parallel_loop3A_185, %parallel_loop3A_186], %parallel_loop3A_181 {strides = array<i32>} : memref<8x2048xf32, #tpu.memory_space<vmem>>, vector<16xf32>,
        %parallel_loop3A_188 = tpu.vector_load_idx %arg7[%broadcast_in_dim3A_27, %parallel_loop3A_145] : memref<8x4096xf32, #tpu.memory_space<vmem>>[vector<16xi32>, vector<16xi32>], vector<16xf32>,
        %parallel_loop3A_189 = arith.constant 16 : i32
        %parallel_loop3A_190 = arith.muli %parallel_loop3A_139, %parallel_loop3A_189 : i32
        %parallel_loop3A_191 = arith.constant 6 : i32
        %parallel_loop3A_192 = arith.index_cast %parallel_loop3A_191 : i32 to index
        %parallel_loop3A_193 = arith.index_cast %parallel_loop3A_190 : i32 to index
        %parallel_loop3A_194 = tpu.vector_load %arg10[%parallel_loop3A_192, %parallel_loop3A_193] {strides = array<i32>} : memref<8x2048xf32, #tpu.memory_space<vmem>>, vector<16xf32>,
        tpu.vector_store %arg10[%parallel_loop3A_192, %parallel_loop3A_193], %parallel_loop3A_188 {strides = array<i32>} : memref<8x2048xf32, #tpu.memory_space<vmem>>, vector<16xf32>,
        %parallel_loop3A_195 = tpu.vector_load_idx %arg7[%broadcast_in_dim3A_29, %parallel_loop3A_145] : memref<8x4096xf32, #tpu.memory_space<vmem>>[vector<16xi32>, vector<16xi32>], vector<16xf32>,
        %parallel_loop3A_196 = arith.constant 16 : i32
        %parallel_loop3A_197 = arith.muli %parallel_loop3A_139, %parallel_loop3A_196 : i32
        %parallel_loop3A_198 = arith.constant 7 : i32
        %parallel_loop3A_199 = arith.index_cast %parallel_loop3A_198 : i32 to index
        %parallel_loop3A_200 = arith.index_cast %parallel_loop3A_197 : i32 to index
        %parallel_loop3A_201 = tpu.vector_load %arg10[%parallel_loop3A_199, %parallel_loop3A_200] {strides = array<i32>} : memref<8x2048xf32, #tpu.memory_space<vmem>>, vector<16xf32>,
        tpu.vector_store %arg10[%parallel_loop3A_199, %parallel_loop3A_200], %parallel_loop3A_195 {strides = array<i32>} : memref<8x2048xf32, #tpu.memory_space<vmem>>, vector<16xf32>,
      } {sc.loop_unroll_factor = 8 : i64, sc.parallel_access}
      %mul3A_84 = arith.constant 8 : i32
      %mul3A_85 = arith.muli %add3A_51, %mul3A_84 : i32
      %add3A_86 = arith.addi %mul3A_2, %mul3A_85 : i32
      %dma_start3A_87 = arith.constant 2048 : i32
      %dma_start3A_88 = tpu.memref_slice %arg4[%add3A_86, %dma_start3A_87] : memref<16384x4096xf32, #tpu.memory_space<hbm>> -> memref<8x2048xf32, #tpu.memory_space<hbm>>
      %dma_start3A_89 = arith.constant 2048 : i32
      %dma_start3A_90 = tpu.memref_slice %arg4[%add3A_86, %dma_start3A_89] : memref<16384x4096xf32, #tpu.memory_space<hbm>> -> memref<8x2048xf32, #tpu.memory_space<hbm>>
      tpu.enqueue_dma source(%arg10 : memref<8x2048xf32, #tpu.memory_space<vmem>>) target(%dma_start3A_90 : memref<8x2048xf32, #tpu.memory_space<hbm>>) target_semaphore(%arg15 : memref<!tpu.dma_semaphore, #tpu.memory_space<semaphore_mem>>)
      %mul3A_91 = arith.constant 2 : i32
      %mul3A_92 = arith.muli %scan3A_47, %mul3A_91 : i32
      %add3A_93 = arith.constant 1 : i32
      %add3A_94 = arith.addi %mul3A_92, %add3A_93 : i32
      %add3A_95 = arith.constant 1 : i32
      %add3A_96 = arith.addi %add3A_94, %add3A_95 : i32
      %lt3A_97 = arith.constant 64 : i32
      %lt3A_98 = arith.cmpi slt, %add3A_96, %lt3A_97 : i32
      %convert_element_type3A_99 = arith.extui %lt3A_98 : i1 to i32
      %cond3A_100 = arith.constant 0 : i32
      %cond3A_101 = arith.cmpi ne, %convert_element_type3A_99, %cond3A_100 : i32
      scf.if %cond3A_101 {
        %add3A_139 = arith.constant 1 : i32
        %add3A_140 = arith.addi %add3A_94, %add3A_139 : i32
        %mul3A_141 = arith.constant 8 : i32
        %mul3A_142 = arith.muli %add3A_140, %mul3A_141 : i32
        %add3A_143 = arith.addi %mul3A_2, %mul3A_142 : i32
        %dma_start3A_144 = arith.constant 0 : i32
        %dma_start3A_145 = tpu.memref_slice %arg2[%add3A_143, %dma_start3A_144] : memref<16384x4096xf32, #tpu.memory_space<hbm>> -> memref<8x4096xf32, #tpu.memory_space<hbm>>
        %dma_start3A_146 = arith.constant 0 : i32
        %dma_start3A_147 = tpu.memref_slice %arg2[%add3A_143, %dma_start3A_146] : memref<16384x4096xf32, #tpu.memory_space<hbm>> -> memref<8x4096xf32, #tpu.memory_space<hbm>>
        tpu.enqueue_dma source(%dma_start3A_147 : memref<8x4096xf32, #tpu.memory_space<hbm>>) target(%arg7 : memref<8x4096xf32, #tpu.memory_space<vmem>>) target_semaphore(%arg12 : memref<!tpu.dma_semaphore, #tpu.memory_space<semaphore_mem>>)
      } else {
      }
      %mul3A_102 = arith.constant 8 : i32
      %mul3A_103 = arith.muli %add3A_94, %mul3A_102 : i32
      %add3A_104 = arith.addi %mul3A_2, %mul3A_103 : i32
      %dma_wait3A_105 = arith.constant 0 : i32
      %dma_wait3A_106 = tpu.memref_slice %arg2[%add3A_104, %dma_wait3A_105] : memref<16384x4096xf32, #tpu.memory_space<hbm>> -> memref<8x4096xf32, #tpu.memory_space<hbm>>
      %dma_wait3A_107 = arith.constant 0 : i32
      %dma_wait3A_108 = tpu.memref_slice %arg2[%add3A_104, %dma_wait3A_107] : memref<16384x4096xf32, #tpu.memory_space<hbm>> -> memref<8x4096xf32, #tpu.memory_space<hbm>>
      tpu.wait_dma2 semaphore(%arg13 : memref<!tpu.dma_semaphore, #tpu.memory_space<semaphore_mem>>) src(%dma_wait3A_108 : memref<8x4096xf32, #tpu.memory_space<hbm>>) dst(%arg8 : memref<8x4096xf32, #tpu.memory_space<vmem>>)
      %ge3A_109 = arith.constant 1 : i32
      %ge3A_110 = arith.cmpi sge, %add3A_94, %ge3A_109 : i32
      %convert_element_type3A_111 = arith.extui %ge3A_110 : i1 to i32
      %cond3A_112 = arith.constant 0 : i32
      %cond3A_113 = arith.cmpi ne, %convert_element_type3A_111, %cond3A_112 : i32
      scf.if %cond3A_113 {
        %sub3A = arith.constant 1 : i32
        %sub3A_139 = arith.subi %add3A_94, %sub3A : i32
        %mul3A_140 = arith.constant 8 : i32
        %mul3A_141 = arith.muli %sub3A_139, %mul3A_140 : i32
        %add3A_142 = arith.addi %mul3A_2, %mul3A_141 : i32
        %dma_wait3A_143 = arith.constant 0 : i32
        %dma_wait3A_144 = tpu.memref_slice %arg4[%add3A_142, %dma_wait3A_143] : memref<16384x4096xf32, #tpu.memory_space<hbm>> -> memref<8x2048xf32, #tpu.memory_space<hbm>>
        %dma_wait3A_145 = arith.constant 0 : i32
        %dma_wait3A_146 = tpu.memref_slice %arg4[%add3A_142, %dma_wait3A_145] : memref<16384x4096xf32, #tpu.memory_space<hbm>> -> memref<8x2048xf32, #tpu.memory_space<hbm>>
        tpu.wait_dma2 semaphore(%arg14 : memref<!tpu.dma_semaphore, #tpu.memory_space<semaphore_mem>>) src(%arg9 : memref<8x2048xf32, #tpu.memory_space<vmem>>) dst(%dma_wait3A_146 : memref<8x2048xf32, #tpu.memory_space<hbm>>)
      } else {
      }
      %parallel_loop3A_114 = arith.constant 0 : i32
      %parallel_loop3A_115 = arith.constant 128 : i32
      %parallel_loop3A_116 = arith.constant 1 : i32
      scf.for %parallel_loop3A_139 = %parallel_loop3A_114 to %parallel_loop3A_115 step %parallel_loop3A_116  : i32 {
        %parallel_loop3A_140 = arith.constant 0 : i32
        %parallel_loop3A_141 = arith.addi %parallel_loop3A_140, %parallel_loop3A_139 : i32
        %parallel_loop3A_142 = arith.constant 16 : i32
        %parallel_loop3A_143 = arith.muli %parallel_loop3A_141, %parallel_loop3A_142 : i32
        %parallel_loop3A_144 = arith.index_cast %parallel_loop3A_143 : i32 to index
        %parallel_loop3A_145 = tpu.vector_load %arg6[%parallel_loop3A_144] {strides = array<i32>} : memref<4096xi32, #tpu.memory_space<vmem>>, vector<16xi32>,
        %parallel_loop3A_146 = tpu.vector_load_idx %arg8[%broadcast_in_dim3A_15, %parallel_loop3A_145] : memref<8x4096xf32, #tpu.memory_space<vmem>>[vector<16xi32>, vector<16xi32>], vector<16xf32>,
        %parallel_loop3A_147 = arith.constant 16 : i32
        %parallel_loop3A_148 = arith.muli %parallel_loop3A_139, %parallel_loop3A_147 : i32
        %parallel_loop3A_149 = arith.constant 0 : i32
        %parallel_loop3A_150 = arith.index_cast %parallel_loop3A_149 : i32 to index
        %parallel_loop3A_151 = arith.index_cast %parallel_loop3A_148 : i32 to index
        %parallel_loop3A_152 = tpu.vector_load %arg9[%parallel_loop3A_150, %parallel_loop3A_151] {strides = array<i32>} : memref<8x2048xf32, #tpu.memory_space<vmem>>, vector<16xf32>,
        tpu.vector_store %arg9[%parallel_loop3A_150, %parallel_loop3A_151], %parallel_loop3A_146 {strides = array<i32>} : memref<8x2048xf32, #tpu.memory_space<vmem>>, vector<16xf32>,
        %parallel_loop3A_153 = tpu.vector_load_idx %arg8[%broadcast_in_dim3A_17, %parallel_loop3A_145] : memref<8x4096xf32, #tpu.memory_space<vmem>>[vector<16xi32>, vector<16xi32>], vector<16xf32>,
        %parallel_loop3A_154 = arith.constant 16 : i32
        %parallel_loop3A_155 = arith.muli %parallel_loop3A_139, %parallel_loop3A_154 : i32
        %parallel_loop3A_156 = arith.constant 1 : i32
        %parallel_loop3A_157 = arith.index_cast %parallel_loop3A_156 : i32 to index
        %parallel_loop3A_158 = arith.index_cast %parallel_loop3A_155 : i32 to index
        %parallel_loop3A_159 = tpu.vector_load %arg9[%parallel_loop3A_157, %parallel_loop3A_158] {strides = array<i32>} : memref<8x2048xf32, #tpu.memory_space<vmem>>, vector<16xf32>,
        tpu.vector_store %arg9[%parallel_loop3A_157, %parallel_loop3A_158], %parallel_loop3A_153 {strides = array<i32>} : memref<8x2048xf32, #tpu.memory_space<vmem>>, vector<16xf32>,
        %parallel_loop3A_160 = tpu.vector_load_idx %arg8[%broadcast_in_dim3A_19, %parallel_loop3A_145] : memref<8x4096xf32, #tpu.memory_space<vmem>>[vector<16xi32>, vector<16xi32>], vector<16xf32>,
        %parallel_loop3A_161 = arith.constant 16 : i32
        %parallel_loop3A_162 = arith.muli %parallel_loop3A_139, %parallel_loop3A_161 : i32
        %parallel_loop3A_163 = arith.constant 2 : i32
        %parallel_loop3A_164 = arith.index_cast %parallel_loop3A_163 : i32 to index
        %parallel_loop3A_165 = arith.index_cast %parallel_loop3A_162 : i32 to index
        %parallel_loop3A_166 = tpu.vector_load %arg9[%parallel_loop3A_164, %parallel_loop3A_165] {strides = array<i32>} : memref<8x2048xf32, #tpu.memory_space<vmem>>, vector<16xf32>,
        tpu.vector_store %arg9[%parallel_loop3A_164, %parallel_loop3A_165], %parallel_loop3A_160 {strides = array<i32>} : memref<8x2048xf32, #tpu.memory_space<vmem>>, vector<16xf32>,
        %parallel_loop3A_167 = tpu.vector_load_idx %arg8[%broadcast_in_dim3A_21, %parallel_loop3A_145] : memref<8x4096xf32, #tpu.memory_space<vmem>>[vector<16xi32>, vector<16xi32>], vector<16xf32>,
        %parallel_loop3A_168 = arith.constant 16 : i32
        %parallel_loop3A_169 = arith.muli %parallel_loop3A_139, %parallel_loop3A_168 : i32
        %parallel_loop3A_170 = arith.constant 3 : i32
        %parallel_loop3A_171 = arith.index_cast %parallel_loop3A_170 : i32 to index
        %parallel_loop3A_172 = arith.index_cast %parallel_loop3A_169 : i32 to index
        %parallel_loop3A_173 = tpu.vector_load %arg9[%parallel_loop3A_171, %parallel_loop3A_172] {strides = array<i32>} : memref<8x2048xf32, #tpu.memory_space<vmem>>, vector<16xf32>,
        tpu.vector_store %arg9[%parallel_loop3A_171, %parallel_loop3A_172], %parallel_loop3A_167 {strides = array<i32>} : memref<8x2048xf32, #tpu.memory_space<vmem>>, vector<16xf32>,
        %parallel_loop3A_174 = tpu.vector_load_idx %arg8[%broadcast_in_dim3A_23, %parallel_loop3A_145] : memref<8x4096xf32, #tpu.memory_space<vmem>>[vector<16xi32>, vector<16xi32>], vector<16xf32>,
        %parallel_loop3A_175 = arith.constant 16 : i32
        %parallel_loop3A_176 = arith.muli %parallel_loop3A_139, %parallel_loop3A_175 : i32
        %parallel_loop3A_177 = arith.constant 4 : i32
        %parallel_loop3A_178 = arith.index_cast %parallel_loop3A_177 : i32 to index
        %parallel_loop3A_179 = arith.index_cast %parallel_loop3A_176 : i32 to index
        %parallel_loop3A_180 = tpu.vector_load %arg9[%parallel_loop3A_178, %parallel_loop3A_179] {strides = array<i32>} : memref<8x2048xf32, #tpu.memory_space<vmem>>, vector<16xf32>,
        tpu.vector_store %arg9[%parallel_loop3A_178, %parallel_loop3A_179], %parallel_loop3A_174 {strides = array<i32>} : memref<8x2048xf32, #tpu.memory_space<vmem>>, vector<16xf32>,
        %parallel_loop3A_181 = tpu.vector_load_idx %arg8[%broadcast_in_dim3A_25, %parallel_loop3A_145] : memref<8x4096xf32, #tpu.memory_space<vmem>>[vector<16xi32>, vector<16xi32>], vector<16xf32>,
        %parallel_loop3A_182 = arith.constant 16 : i32
        %parallel_loop3A_183 = arith.muli %parallel_loop3A_139, %parallel_loop3A_182 : i32
        %parallel_loop3A_184 = arith.constant 5 : i32
        %parallel_loop3A_185 = arith.index_cast %parallel_loop3A_184 : i32 to index
        %parallel_loop3A_186 = arith.index_cast %parallel_loop3A_183 : i32 to index
        %parallel_loop3A_187 = tpu.vector_load %arg9[%parallel_loop3A_185, %parallel_loop3A_186] {strides = array<i32>} : memref<8x2048xf32, #tpu.memory_space<vmem>>, vector<16xf32>,
        tpu.vector_store %arg9[%parallel_loop3A_185, %parallel_loop3A_186], %parallel_loop3A_181 {strides = array<i32>} : memref<8x2048xf32, #tpu.memory_space<vmem>>, vector<16xf32>,
        %parallel_loop3A_188 = tpu.vector_load_idx %arg8[%broadcast_in_dim3A_27, %parallel_loop3A_145] : memref<8x4096xf32, #tpu.memory_space<vmem>>[vector<16xi32>, vector<16xi32>], vector<16xf32>,
        %parallel_loop3A_189 = arith.constant 16 : i32
        %parallel_loop3A_190 = arith.muli %parallel_loop3A_139, %parallel_loop3A_189 : i32
        %parallel_loop3A_191 = arith.constant 6 : i32
        %parallel_loop3A_192 = arith.index_cast %parallel_loop3A_191 : i32 to index
        %parallel_loop3A_193 = arith.index_cast %parallel_loop3A_190 : i32 to index
        %parallel_loop3A_194 = tpu.vector_load %arg9[%parallel_loop3A_192, %parallel_loop3A_193] {strides = array<i32>} : memref<8x2048xf32, #tpu.memory_space<vmem>>, vector<16xf32>,
        tpu.vector_store %arg9[%parallel_loop3A_192, %parallel_loop3A_193], %parallel_loop3A_188 {strides = array<i32>} : memref<8x2048xf32, #tpu.memory_space<vmem>>, vector<16xf32>,
        %parallel_loop3A_195 = tpu.vector_load_idx %arg8[%broadcast_in_dim3A_29, %parallel_loop3A_145] : memref<8x4096xf32, #tpu.memory_space<vmem>>[vector<16xi32>, vector<16xi32>], vector<16xf32>,
        %parallel_loop3A_196 = arith.constant 16 : i32
        %parallel_loop3A_197 = arith.muli %parallel_loop3A_139, %parallel_loop3A_196 : i32
        %parallel_loop3A_198 = arith.constant 7 : i32
        %parallel_loop3A_199 = arith.index_cast %parallel_loop3A_198 : i32 to index
        %parallel_loop3A_200 = arith.index_cast %parallel_loop3A_197 : i32 to index
        %parallel_loop3A_201 = tpu.vector_load %arg9[%parallel_loop3A_199, %parallel_loop3A_200] {strides = array<i32>} : memref<8x2048xf32, #tpu.memory_space<vmem>>, vector<16xf32>,
        tpu.vector_store %arg9[%parallel_loop3A_199, %parallel_loop3A_200], %parallel_loop3A_195 {strides = array<i32>} : memref<8x2048xf32, #tpu.memory_space<vmem>>, vector<16xf32>,
      } {sc.loop_unroll_factor = 8 : i64, sc.parallel_access}
      %mul3A_117 = arith.constant 8 : i32
      %mul3A_118 = arith.muli %add3A_94, %mul3A_117 : i32
      %add3A_119 = arith.addi %mul3A_2, %mul3A_118 : i32
      %dma_start3A_120 = arith.constant 0 : i32
      %dma_start3A_121 = tpu.memref_slice %arg4[%add3A_119, %dma_start3A_120] : memref<16384x4096xf32, #tpu.memory_space<hbm>> -> memref<8x2048xf32, #tpu.memory_space<hbm>>
      %dma_start3A_122 = arith.constant 0 : i32
      %dma_start3A_123 = tpu.memref_slice %arg4[%add3A_119, %dma_start3A_122] : memref<16384x4096xf32, #tpu.memory_space<hbm>> -> memref<8x2048xf32, #tpu.memory_space<hbm>>
      tpu.enqueue_dma source(%arg9 : memref<8x2048xf32, #tpu.memory_space<vmem>>) target(%dma_start3A_123 : memref<8x2048xf32, #tpu.memory_space<hbm>>) target_semaphore(%arg14 : memref<!tpu.dma_semaphore, #tpu.memory_space<semaphore_mem>>)
      %ge3A_124 = arith.constant 1 : i32
      %ge3A_125 = arith.cmpi sge, %add3A_94, %ge3A_124 : i32
      %convert_element_type3A_126 = arith.extui %ge3A_125 : i1 to i32
      %cond3A_127 = arith.constant 0 : i32
      %cond3A_128 = arith.cmpi ne, %convert_element_type3A_126, %cond3A_127 : i32
      scf.if %cond3A_128 {
        %sub3A = arith.constant 1 : i32
        %sub3A_139 = arith.subi %add3A_94, %sub3A : i32
        %mul3A_140 = arith.constant 8 : i32
        %mul3A_141 = arith.muli %sub3A_139, %mul3A_140 : i32
        %add3A_142 = arith.addi %mul3A_2, %mul3A_141 : i32
        %dma_wait3A_143 = arith.constant 2048 : i32
        %dma_wait3A_144 = tpu.memref_slice %arg4[%add3A_142, %dma_wait3A_143] : memref<16384x4096xf32, #tpu.memory_space<hbm>> -> memref<8x2048xf32, #tpu.memory_space<hbm>>
        %dma_wait3A_145 = arith.constant 2048 : i32
        %dma_wait3A_146 = tpu.memref_slice %arg4[%add3A_142, %dma_wait3A_145] : memref<16384x4096xf32, #tpu.memory_space<hbm>> -> memref<8x2048xf32, #tpu.memory_space<hbm>>
        tpu.wait_dma2 semaphore(%arg15 : memref<!tpu.dma_semaphore, #tpu.memory_space<semaphore_mem>>) src(%arg10 : memref<8x2048xf32, #tpu.memory_space<vmem>>) dst(%dma_wait3A_146 : memref<8x2048xf32, #tpu.memory_space<hbm>>)
      } else {
      }
      %parallel_loop3A_129 = arith.constant 0 : i32
      %parallel_loop3A_130 = arith.constant 128 : i32
      %parallel_loop3A_131 = arith.constant 1 : i32
      scf.for %parallel_loop3A_139 = %parallel_loop3A_129 to %parallel_loop3A_130 step %parallel_loop3A_131  : i32 {
        %parallel_loop3A_140 = arith.constant 128 : i32
        %parallel_loop3A_141 = arith.addi %parallel_loop3A_140, %parallel_loop3A_139 : i32
        %parallel_loop3A_142 = arith.constant 16 : i32
        %parallel_loop3A_143 = arith.muli %parallel_loop3A_141, %parallel_loop3A_142 : i32
        %parallel_loop3A_144 = arith.index_cast %parallel_loop3A_143 : i32 to index
        %parallel_loop3A_145 = tpu.vector_load %arg6[%parallel_loop3A_144] {strides = array<i32>} : memref<4096xi32, #tpu.memory_space<vmem>>, vector<16xi32>,
        %parallel_loop3A_146 = tpu.vector_load_idx %arg8[%broadcast_in_dim3A_15, %parallel_loop3A_145] : memref<8x4096xf32, #tpu.memory_space<vmem>>[vector<16xi32>, vector<16xi32>], vector<16xf32>,
        %parallel_loop3A_147 = arith.constant 16 : i32
        %parallel_loop3A_148 = arith.muli %parallel_loop3A_139, %parallel_loop3A_147 : i32
        %parallel_loop3A_149 = arith.constant 0 : i32
        %parallel_loop3A_150 = arith.index_cast %parallel_loop3A_149 : i32 to index
        %parallel_loop3A_151 = arith.index_cast %parallel_loop3A_148 : i32 to index
        %parallel_loop3A_152 = tpu.vector_load %arg10[%parallel_loop3A_150, %parallel_loop3A_151] {strides = array<i32>} : memref<8x2048xf32, #tpu.memory_space<vmem>>, vector<16xf32>,
        tpu.vector_store %arg10[%parallel_loop3A_150, %parallel_loop3A_151], %parallel_loop3A_146 {strides = array<i32>} : memref<8x2048xf32, #tpu.memory_space<vmem>>, vector<16xf32>,
        %parallel_loop3A_153 = tpu.vector_load_idx %arg8[%broadcast_in_dim3A_17, %parallel_loop3A_145] : memref<8x4096xf32, #tpu.memory_space<vmem>>[vector<16xi32>, vector<16xi32>], vector<16xf32>,
        %parallel_loop3A_154 = arith.constant 16 : i32
        %parallel_loop3A_155 = arith.muli %parallel_loop3A_139, %parallel_loop3A_154 : i32
        %parallel_loop3A_156 = arith.constant 1 : i32
        %parallel_loop3A_157 = arith.index_cast %parallel_loop3A_156 : i32 to index
        %parallel_loop3A_158 = arith.index_cast %parallel_loop3A_155 : i32 to index
        %parallel_loop3A_159 = tpu.vector_load %arg10[%parallel_loop3A_157, %parallel_loop3A_158] {strides = array<i32>} : memref<8x2048xf32, #tpu.memory_space<vmem>>, vector<16xf32>,
        tpu.vector_store %arg10[%parallel_loop3A_157, %parallel_loop3A_158], %parallel_loop3A_153 {strides = array<i32>} : memref<8x2048xf32, #tpu.memory_space<vmem>>, vector<16xf32>,
        %parallel_loop3A_160 = tpu.vector_load_idx %arg8[%broadcast_in_dim3A_19, %parallel_loop3A_145] : memref<8x4096xf32, #tpu.memory_space<vmem>>[vector<16xi32>, vector<16xi32>], vector<16xf32>,
        %parallel_loop3A_161 = arith.constant 16 : i32
        %parallel_loop3A_162 = arith.muli %parallel_loop3A_139, %parallel_loop3A_161 : i32
        %parallel_loop3A_163 = arith.constant 2 : i32
        %parallel_loop3A_164 = arith.index_cast %parallel_loop3A_163 : i32 to index
        %parallel_loop3A_165 = arith.index_cast %parallel_loop3A_162 : i32 to index
        %parallel_loop3A_166 = tpu.vector_load %arg10[%parallel_loop3A_164, %parallel_loop3A_165] {strides = array<i32>} : memref<8x2048xf32, #tpu.memory_space<vmem>>, vector<16xf32>,
        tpu.vector_store %arg10[%parallel_loop3A_164, %parallel_loop3A_165], %parallel_loop3A_160 {strides = array<i32>} : memref<8x2048xf32, #tpu.memory_space<vmem>>, vector<16xf32>,
        %parallel_loop3A_167 = tpu.vector_load_idx %arg8[%broadcast_in_dim3A_21, %parallel_loop3A_145] : memref<8x4096xf32, #tpu.memory_space<vmem>>[vector<16xi32>, vector<16xi32>], vector<16xf32>,
        %parallel_loop3A_168 = arith.constant 16 : i32
        %parallel_loop3A_169 = arith.muli %parallel_loop3A_139, %parallel_loop3A_168 : i32
        %parallel_loop3A_170 = arith.constant 3 : i32
        %parallel_loop3A_171 = arith.index_cast %parallel_loop3A_170 : i32 to index
        %parallel_loop3A_172 = arith.index_cast %parallel_loop3A_169 : i32 to index
        %parallel_loop3A_173 = tpu.vector_load %arg10[%parallel_loop3A_171, %parallel_loop3A_172] {strides = array<i32>} : memref<8x2048xf32, #tpu.memory_space<vmem>>, vector<16xf32>,
        tpu.vector_store %arg10[%parallel_loop3A_171, %parallel_loop3A_172], %parallel_loop3A_167 {strides = array<i32>} : memref<8x2048xf32, #tpu.memory_space<vmem>>, vector<16xf32>,
        %parallel_loop3A_174 = tpu.vector_load_idx %arg8[%broadcast_in_dim3A_23, %parallel_loop3A_145] : memref<8x4096xf32, #tpu.memory_space<vmem>>[vector<16xi32>, vector<16xi32>], vector<16xf32>,
        %parallel_loop3A_175 = arith.constant 16 : i32
        %parallel_loop3A_176 = arith.muli %parallel_loop3A_139, %parallel_loop3A_175 : i32
        %parallel_loop3A_177 = arith.constant 4 : i32
        %parallel_loop3A_178 = arith.index_cast %parallel_loop3A_177 : i32 to index
        %parallel_loop3A_179 = arith.index_cast %parallel_loop3A_176 : i32 to index
        %parallel_loop3A_180 = tpu.vector_load %arg10[%parallel_loop3A_178, %parallel_loop3A_179] {strides = array<i32>} : memref<8x2048xf32, #tpu.memory_space<vmem>>, vector<16xf32>,
        tpu.vector_store %arg10[%parallel_loop3A_178, %parallel_loop3A_179], %parallel_loop3A_174 {strides = array<i32>} : memref<8x2048xf32, #tpu.memory_space<vmem>>, vector<16xf32>,
        %parallel_loop3A_181 = tpu.vector_load_idx %arg8[%broadcast_in_dim3A_25, %parallel_loop3A_145] : memref<8x4096xf32, #tpu.memory_space<vmem>>[vector<16xi32>, vector<16xi32>], vector<16xf32>,
        %parallel_loop3A_182 = arith.constant 16 : i32
        %parallel_loop3A_183 = arith.muli %parallel_loop3A_139, %parallel_loop3A_182 : i32
        %parallel_loop3A_184 = arith.constant 5 : i32
        %parallel_loop3A_185 = arith.index_cast %parallel_loop3A_184 : i32 to index
        %parallel_loop3A_186 = arith.index_cast %parallel_loop3A_183 : i32 to index
        %parallel_loop3A_187 = tpu.vector_load %arg10[%parallel_loop3A_185, %parallel_loop3A_186] {strides = array<i32>} : memref<8x2048xf32, #tpu.memory_space<vmem>>, vector<16xf32>,
        tpu.vector_store %arg10[%parallel_loop3A_185, %parallel_loop3A_186], %parallel_loop3A_181 {strides = array<i32>} : memref<8x2048xf32, #tpu.memory_space<vmem>>, vector<16xf32>,
        %parallel_loop3A_188 = tpu.vector_load_idx %arg8[%broadcast_in_dim3A_27, %parallel_loop3A_145] : memref<8x4096xf32, #tpu.memory_space<vmem>>[vector<16xi32>, vector<16xi32>], vector<16xf32>,
        %parallel_loop3A_189 = arith.constant 16 : i32
        %parallel_loop3A_190 = arith.muli %parallel_loop3A_139, %parallel_loop3A_189 : i32
        %parallel_loop3A_191 = arith.constant 6 : i32
        %parallel_loop3A_192 = arith.index_cast %parallel_loop3A_191 : i32 to index
        %parallel_loop3A_193 = arith.index_cast %parallel_loop3A_190 : i32 to index
        %parallel_loop3A_194 = tpu.vector_load %arg10[%parallel_loop3A_192, %parallel_loop3A_193] {strides = array<i32>} : memref<8x2048xf32, #tpu.memory_space<vmem>>, vector<16xf32>,
        tpu.vector_store %arg10[%parallel_loop3A_192, %parallel_loop3A_193], %parallel_loop3A_188 {strides = array<i32>} : memref<8x2048xf32, #tpu.memory_space<vmem>>, vector<16xf32>,
        %parallel_loop3A_195 = tpu.vector_load_idx %arg8[%broadcast_in_dim3A_29, %parallel_loop3A_145] : memref<8x4096xf32, #tpu.memory_space<vmem>>[vector<16xi32>, vector<16xi32>], vector<16xf32>,
        %parallel_loop3A_196 = arith.constant 16 : i32
        %parallel_loop3A_197 = arith.muli %parallel_loop3A_139, %parallel_loop3A_196 : i32
        %parallel_loop3A_198 = arith.constant 7 : i32
        %parallel_loop3A_199 = arith.index_cast %parallel_loop3A_198 : i32 to index
        %parallel_loop3A_200 = arith.index_cast %parallel_loop3A_197 : i32 to index
        %parallel_loop3A_201 = tpu.vector_load %arg10[%parallel_loop3A_199, %parallel_loop3A_200] {strides = array<i32>} : memref<8x2048xf32, #tpu.memory_space<vmem>>, vector<16xf32>,
        tpu.vector_store %arg10[%parallel_loop3A_199, %parallel_loop3A_200], %parallel_loop3A_195 {strides = array<i32>} : memref<8x2048xf32, #tpu.memory_space<vmem>>, vector<16xf32>,
      } {sc.loop_unroll_factor = 8 : i64, sc.parallel_access}
      %mul3A_132 = arith.constant 8 : i32
      %mul3A_133 = arith.muli %add3A_94, %mul3A_132 : i32
      %add3A_134 = arith.addi %mul3A_2, %mul3A_133 : i32
      %dma_start3A_135 = arith.constant 2048 : i32
      %dma_start3A_136 = tpu.memref_slice %arg4[%add3A_134, %dma_start3A_135] : memref<16384x4096xf32, #tpu.memory_space<hbm>> -> memref<8x2048xf32, #tpu.memory_space<hbm>>
      %dma_start3A_137 = arith.constant 2048 : i32
      %dma_start3A_138 = tpu.memref_slice %arg4[%add3A_134, %dma_start3A_137] : memref<16384x4096xf32, #tpu.memory_space<hbm>> -> memref<8x2048xf32, #tpu.memory_space<hbm>>
      tpu.enqueue_dma source(%arg10 : memref<8x2048xf32, #tpu.memory_space<vmem>>) target(%dma_start3A_138 : memref<8x2048xf32, #tpu.memory_space<hbm>>) target_semaphore(%arg15 : memref<!tpu.dma_semaphore, #tpu.memory_space<semaphore_mem>>)
    }
    %scan3A_35 = arith.constant 32 : i32
    %add3A_36 = arith.constant 504 : i32
    %add3A_37 = arith.addi %mul3A_2, %add3A_36 : i32
    %dma_wait3A = arith.constant 0 : i32
    %dma_wait3A_38 = tpu.memref_slice %arg4[%add3A_37, %dma_wait3A] : memref<16384x4096xf32, #tpu.memory_space<hbm>> -> memref<8x2048xf32, #tpu.memory_space<hbm>>
    %dma_wait3A_39 = arith.constant 0 : i32
    %dma_wait3A_40 = tpu.memref_slice %arg4[%add3A_37, %dma_wait3A_39] : memref<16384x4096xf32, #tpu.memory_space<hbm>> -> memref<8x2048xf32, #tpu.memory_space<hbm>>
    tpu.wait_dma2 semaphore(%arg14 : memref<!tpu.dma_semaphore, #tpu.memory_space<semaphore_mem>>) src(%arg9 : memref<8x2048xf32, #tpu.memory_space<vmem>>) dst(%dma_wait3A_40 : memref<8x2048xf32, #tpu.memory_space<hbm>>)
    %add3A_41 = arith.constant 504 : i32
    %add3A_42 = arith.addi %mul3A_2, %add3A_41 : i32
    %dma_wait3A_43 = arith.constant 2048 : i32
    %dma_wait3A_44 = tpu.memref_slice %arg4[%add3A_42, %dma_wait3A_43] : memref<16384x4096xf32, #tpu.memory_space<hbm>> -> memref<8x2048xf32, #tpu.memory_space<hbm>>
    %dma_wait3A_45 = arith.constant 2048 : i32
    %dma_wait3A_46 = tpu.memref_slice %arg4[%add3A_42, %dma_wait3A_45] : memref<16384x4096xf32, #tpu.memory_space<hbm>> -> memref<8x2048xf32, #tpu.memory_space<hbm>>
    tpu.wait_dma2 semaphore(%arg15 : memref<!tpu.dma_semaphore, #tpu.memory_space<semaphore_mem>>) src(%arg10 : memref<8x2048xf32, #tpu.memory_space<vmem>>) dst(%dma_wait3A_46 : memref<8x2048xf32, #tpu.memory_space<hbm>>)
    return
  }
}

</mosaic_0001>

<sc_bundles>
// kernel: kernel.3.cloned.1.call-start
scs
__scs_entry_jumppad:
0x0: {  	(pc) =	sbr.rel $0x88, $3  }
0x1: {  	(tag) =	ssettag $0x0;
	lr =	simm.s32 $0x1  }
0x2: {  	[smem:$0x3F9F] =	sst lr;
	_ =	strace $0xD0000000  }
0x3: {  	_ = 	snop  }
0x4: {  	_ = 	snop  }
0x5: {  	_ = 	snop  }
0x6: {  	_ = 	snop  }
0x7: {  	_ = 	snop  }
__scs_overlays_trampoline_lowered:
0x8: {  	[smem:$0x3FAE] =	sst s0  }
0x9: {  	[smem:$0x3FAF] =	sst s1  }
0xa: {  	[smem:$0x3FB0] =	sst s2  }
0xb: {  	[smem:$0x3FB1] =	sst s3  }
0xc: {  	[smem:$0x3FB2] =	sst s4  }
0xd: {  	[smem:$0x3FB3] =	sst s5  }
0xe: {  	[smem:$0x3FB4] =	sst s6  }
0xf: {  	[smem:$0x3FB5] =	sst s7  }
0x10: {  	[smem:$0x3FB6] =	sst s8  }
0x11: {  	[smem:$0x3FB7] =	sst s9;
	s0 =	simm.s32 @!p0 $0x0  }
0x12: {  	s1 =	sld [smem:$0x3F9D];
	s0 =	simm.s32 @p0 $0x1  }
0x13: {  	[smem:$0x3FB8] =	sst s0;
	s0 =	simm.s32 @!p1 $0x0  }
0x14: {  	s2 =	sld [smem:$0x3F9C];
	s0 =	simm.s32 @p1 $0x1  }
0x15: {  	[smem:$0x3FB9] =	sst s0;
	s0 =	simm.s32 @!p2 $0x0  }
0x16: {  	s3 =	sld [smem:$0x3FDB];
	s0 =	simm.s32 @p2 $0x1  }
0x17: {  	s4 =	simm.s32 $0x1BF5;
	[smem:$0x3FBB] =	sst s0  }
0x18: {  	s0 =	sld [smem:$0x3F9E];
	_ =	swait.ge [sflag:s4], $0x0  }
0x19: {  	s7 =	sld [smem:$0x3F9F]  }
0x1a: {  	s8 =	sadd.s32 $0xFFFFE003, lr  }
0x1b: {  	s9 =	sadd.s32 $0xFFFFFEF7, lr;
	s5 =	simm.s32 $0xFFFFFFFF;
	p2 =	slt.u32 s8, $0xFFFFF086  }
0x1c: {  	p1 =	slt.u32 s9, $0xF7A;
	s5 =	simm.s32 @!p2 $0x0  }
0x1d: {  	s5 =	simm.s32 @p1 $0x1;
	p0 =	seq.s32 s7, s2  }
0x1e: {  	s7 =	smul.u32 @!p0 $0xF7A, s2;
	p2 =	seq.s32 @!p0 s5, $0x0  }
0x1f: {  	s9 =	smul.u32 $0xF7A, s1;
	s8 =	simm.s32 @!p0 $0x1BF5;
	p2 =	por !p2, p0  }
0x20: {  	[sflag:s8] =	ssyncset.s32 @!p0 $0xFFFFF086;
	s6 =	sadd.s32 @!p0 s3, s7;
	s7 =	simm.s32 @!p0 $0x108  }
0x21: {  	s3 =	sadd.s32 s3, s9;
	s6 =	sadd.s32 @!p0 $0x88, s6;
	s7 =	simm.s32 @p2 $0x1082  }
0x22: {  	[simem:s7], [sflag:s8] =	dma.local @!p0 [hbm:s6], $0xF7A  }
0x23: {  	s9 =	sor.u32 $0xD0000000, s2;
	s6 =	simm.s32 $0x108;
	_ =	swait.ge @!p0 [sflag:s8], $0x0  }
0x24: {  	s3 =	sadd.s32 $0x88, s3;
	s6 =	simm.s32 @!p1 $0x1082;
	[sflag:s4] =	ssyncset.s32 $0xFFFFF086  }
0x25: {  	[simem:s6], [sflag:s4] =	dma.local [hbm:s3], $0xF7A  }
0x26: {  	[smem:$0x3F9F] =	sst s1;
	(tag) =	ssettag s2;
	_ =	strace s9  }
0x27: {  	s1 =	sld [smem:$0x3FAF]  }
0x28: {  	s2 =	sld [smem:$0x3FB0]  }
0x29: {  	s4 =	sld [smem:$0x3FB2]  }
0x2a: {  	p0 =	seq.s32 s5, $0x0;
	s5 =	sld [smem:$0x3FB3]  }
0x2b: {  	s6 =	sld [smem:$0x3FB4]  }
0x2c: {  	s7 =	sld [smem:$0x3FB5]  }
0x2d: {  	s3 =	simm.s32 $0x108;
	s8 =	sld [smem:$0x3FB6]  }
0x2e: {  	s3 =	simm.s32 @!p0 $0x1082;
	s9 =	sld [smem:$0x3FB7]  }
0x2f: {  	lr =	sadd.s32 s0, s3;
	s0 =	sld [smem:$0x3FAE]  }
0x30: {  	s3 =	sld [smem:$0x3FB1]  }
0x31: {  	[smem:$0x3FBA] =	sst s10  }
0x32: {  	s10 =	sld [smem:$0x3FB8];
	_ =	sdelay $0x3  }
0x33: {  	p0 =	seq.s32 s10, $0x1;
	s10 =	sld [smem:$0x3FBA];
	_ =	sdelay $0x3  }
0x34: {  	[smem:$0x3FBA] =	sst s10  }
0x35: {  	s10 =	sld [smem:$0x3FB9];
	_ =	sdelay $0x3  }
0x36: {  	p1 =	seq.s32 s10, $0x1;
	s10 =	sld [smem:$0x3FBA];
	_ =	sdelay $0x3  }
0x37: {  	[smem:$0x3FBA] =	sst s10  }
0x38: {  	s10 =	sld [smem:$0x3FBB]  }
0x39: {  	_ = 	snop;
	(pc) =	sbr.ind lr, $3  }
0x3a: {  	_ = 	snop  }
0x3b: {  	_ = 	snop  }
0x3c: {  	p2 =	seq.s32 s10, $0x1;
	s10 =	sld [smem:$0x3FBA]  }
0x3d: {  	_ =	shalt  }
0x3e: {  	_ =	shalt  }
0x3f: {  	_ =	shalt  }
0x40: {  	_ =	shalt  }
0x41: {  	_ =	shalt  }
0x42: {  	_ =	shalt  }
0x43: {  	_ =	shalt  }
0x44: {  	_ =	shalt  }
0x45: {  	_ =	shalt  }
0x46: {  	_ =	shalt  }
0x47: {  	_ =	shalt  }
0x48: {  	_ =	shalt  }
0x49: {  	_ =	shalt  }
0x4a: {  	_ =	shalt  }
0x4b: {  	_ =	shalt  }
0x4c: {  	_ =	shalt  }
0x4d: {  	_ =	shalt  }
0x4e: {  	_ =	shalt  }
0x4f: {  	_ =	shalt  }
0x50: {  	_ =	shalt  }
0x51: {  	_ =	shalt  }
0x52: {  	_ =	shalt  }
0x53: {  	_ =	shalt  }
0x54: {  	_ =	shalt  }
0x55: {  	_ =	shalt  }
0x56: {  	_ =	shalt  }
0x57: {  	_ =	shalt  }
0x58: {  	_ =	shalt  }
0x59: {  	_ =	shalt  }
0x5a: {  	_ =	shalt  }
0x5b: {  	_ =	shalt  }
0x5c: {  	_ =	shalt  }
0x5d: {  	_ =	shalt  }
0x5e: {  	_ =	shalt  }
0x5f: {  	_ =	shalt  }
0x60: {  	_ =	shalt  }
0x61: {  	_ =	shalt  }
0x62: {  	_ =	shalt  }
0x63: {  	_ =	shalt  }
0x64: {  	_ =	shalt  }
0x65: {  	_ =	shalt  }
0x66: {  	_ =	shalt  }
0x67: {  	_ =	shalt  }
0x68: {  	_ =	shalt  }
0x69: {  	_ =	shalt  }
0x6a: {  	_ =	shalt  }
0x6b: {  	_ =	shalt  }
0x6c: {  	_ =	shalt  }
0x6d: {  	_ =	shalt  }
0x6e: {  	_ =	shalt  }
0x6f: {  	_ =	shalt  }
0x70: {  	_ =	shalt  }
0x71: {  	_ =	shalt  }
0x72: {  	_ =	shalt  }
0x73: {  	_ =	shalt  }
0x74: {  	_ =	shalt  }
0x75: {  	_ =	shalt  }
0x76: {  	_ =	shalt  }
0x77: {  	_ =	shalt  }
0x78: {  	_ =	shalt  }
0x79: {  	_ =	shalt  }
0x7a: {  	_ =	shalt  }
0x7b: {  	_ =	shalt  }
0x7c: {  	_ =	shalt  }
0x7d: {  	_ =	shalt  }
0x7e: {  	_ =	shalt  }
0x7f: {  	_ =	shalt  }
0x80: {  	_ =	shalt  }
0x81: {  	_ =	shalt  }
0x82: {  	_ =	shalt  }
0x83: {  	_ =	shalt  }
0x84: {  	_ =	shalt  }
0x85: {  	_ =	shalt  }
0x86: {  	_ =	shalt  }
0x87: {  	_ =	shalt  }
.Lfunc_end0:
.L_simem_size_0:
called_computation_lowered:
.L_overlay_start_0:
0x88: {  	s2 =	sld [smem:$0x3FD9]  }
0x89: {  	s3 =	sld [smem:$0x3FFE];
	_ =	sdelay $0x1  }
0x8a: {  	s1 =	srdreg.scid  }
0x8b: {  	s0 =	sand.u32 $0x1, s1  }
0x8c: {  	s15 =	sshll.u32 s0, $0xA;
	s2 =	sadd.s32 s3, s2  }
0x8d: {  	s2 =	sadd.s32 s2, s15  }
0x8e: {  	[smem:$0x3FC6] =	sst s2  }
0x8f: {  	_ = 	snop  }
0x90: {  	s2 =	sld [smem:$0x3FD0];
	_ =	sdelay $0x1  }
0x91: {  	s16 =	sld [smem:$0x3FC9]  }
0x92: {  	s5 =	simm.s32 $0xA;
	s6 =	simm.s32 $0x10;
	s4 =	sld [smem:$0x3FC8]  }
0x93: {  	[smem:s6], [sflag:s5] =	dma.local [hbm:s2], $0x1  }
0x94: {  	_ =	swait.eq [sflag:s5], $0x1  }
0x95: {  	[sflag:s5] =	ssyncset.done $0x0  }
0x96: {  	s17 =	sld [smem:$0x10];
	[sflag:s5] =	ssyncadd.s32 $0xFFFFFFFF  }
0x97: {  	s18 =	sld [smem:$0x11];
	(tm) =	ssettm $0x1  }
0x98: {  	s19 =	sld [smem:$0x3FFB];
	_ =	sdelay $0x3  }
0x99: {  	_ =	strace s19  }
0x9a: {  	s6 =	sld [smem:$0x3FFC];
	_ =	sdelay $0x3  }
0x9b: {  	_ =	strace s6  }
0x9c: {  	s6 =	sld [smem:$0x3FFD];
	_ =	sdelay $0x3  }
0x9d: {  	_ =	strace s6  }
0x9e: {  	_ =	strace $0x8FFFFFFF  }
0x9f: {  	s20 =	sld [smem:$0x3FDB];
	_ =	sdelay $0x1  }
0xa0: {  	s7 =	simm.s32 $_scs_section_size  }
0xa1: {  	s8 =	simm.s32 $_size__tile_overlayer_lowered;
	s9 =	simm.s32 $_tile_overlayer_lowered  }
0xa2: {  	s23 =	simm.s32 $0x1BFF;
	s22 =	sshll.u32 s9, $0x1;
	s6 =	sadd.s32 s7, s20  }
0xa3: {  	s10 =	simm.s32 $0x0;
	s21 =	sshll.u32 s8, $0x1;
	s8 =	sadd.s32 s22, s6  }
0xa4: {  	[timem:s10], [sflag:s23] =	dma.local [hbm:s8], s21  }
0xa5: {  	_ =	swait.ge [sflag:s23], s21  }
0xa6: {  	s7 =	ssub.s32 $0x0, s21;
	[sflag:s23] =	ssyncset.done $0x0  }
0xa7: {  	[sflag:s23] =	ssyncadd.s32 s7;
	_ =	sdelay $0x1  }
0xa8: {  	s24 =	simm.s32 $0x1B8B  }
0xa9: {  	_ =	swait.ge [sflag:s24], $0x1  }
0xaa: {  	[sflag:s24] =	ssyncset.done $0x0  }
0xab: {  	s25 =	simm.s32 $0x1B8E;
	[sflag:s24] =	ssyncadd.s32 $0xFFFFFFFF  }
0xac: {  	s26 =	simm.s32 $execute0_lowered;
	[smem:$0x3FD2] =	sst s25  }
0xad: {  	s7 =	sshll.u32 s26, $0x1;
	_ =	strace $0x80000046;
	[dreg:$0x1] =	wrdreg $0xFFFFFFFF  }
0xae: {  	s28 =	simm.s32 $_size_execute0_lowered;
	s6 =	sadd.s32 s6, s7;
	[dreg:$0x0] =	wrdreg $0x0  }
0xaf: {  	s7 =	sshll.u32 s28, $0x1;
	[dreg:$0x2] =	wrdreg s6  }
0xb0: {  	[dreg:$0x3] =	wrdreg s7  }
0xb1: {  	[dreg:$0x4] =	wrdreg $0xC0  }
0xb2: {  	_ =	task [dreg:s10], $0x5FFFF  }
0xb3: {  	[dreg:$0x1] =	wrdreg $0xFFFFFFFF  }
0xb4: {  	[dreg:$0x0] =	wrdreg $0x60  }
0xb5: {  	[dreg:$0x2] =	wrdreg s16  }
0xb6: {  	[dreg:$0x3] =	wrdreg s4  }
0xb7: {  	[dreg:$0x4] =	wrdreg s17  }
0xb8: {  	[dreg:$0x5] =	wrdreg s18  }
0xb9: {  	[dreg:$0x6] =	wrdreg $0x9  }
0xba: {  	_ =	task.clear_ibuf [dreg:s10], $0x7FFFF;
	_ =	strace $0x90000046  }
0xbb: {  	s29 =	simm.s32 $0x9;
	_ =	strace $0x80000048  }
0xbc: {  	_ =	swait.ge [sflag:s29], $0x1  }
0xbd: {  	[sflag:s29] =	ssyncadd.s32 $0xFFFFFFFF  }
0xbe: {  	_ =	strace $0x90000048  }
0xbf: {  	_ =	sfence  }
0xc0: {  	s30 =	sld [smem:$0x0];
	_ =	sdelay $0x2  }
0xc1: {  	s31 =	sshll.u32 s1, $0xD;
	s1 =	sshrl.u32 s1, $0x2  }
0xc2: {  	s3 =	sand.u32 $0x4000, s31;
	s1 =	sadd.s32 s1, s30  }
0xc3: {  	s0 =	sor.u32 s3, s0;
	s1 =	sshll.u32 s1, $0x11  }
0xc4: {  	s0 =	sor.u32 s1, s0  }
0xc5: {  	s0 =	sadd.s32 $0x8F2B, s0  }
0xc6: {  	[sflag:s0] =	ssyncadd.remote.s32 $0x1  }
0xc7: {  	_ =	sfence.sel $0xFFFF  }
0xc8: {  	[dreg:$0x0] =	wrdreg $0xFFFFFFFF;
	(pc) =	sbr.abs _section_cstart, $3  }
0xc9: {  	[dreg:$0x1] =	wrdreg $0xFFFFFFFF  }
0xca: {  	_ =	task.clear_ibuf [dreg:s10], $0x2FFFF;
	_ =	strace $0x9FFFFFFF  }
0xcb: {  	(tm) =	ssettm $0x7FFFFFFF  }
tec
execute0_lowered:
.L_overlay_start_1:
0x0: {  	(tag) =	ssettag $0x1  }
0x1: {  	s1 =	rddreg [dreg:$0x0]  }
0x2: {  	s2 =	rddreg [dreg:$0x1]  }
0x3: {  	s4 =	rddreg [dreg:$0x2]  }
0x4: {  	s0 =	rddreg [dreg:$0x3]  }
0x5: {  	s5 =	srdreg.scid;
	s3 =	stileid.u32;
	s13 =	simm.s32 $0x5  }
0x6: {  	s14 =	simm.s32 $0x19000;
	s15 =	simm.s32 $0x1000;
	s16 =	simm.s32 $0x9000  }
0x7: {  	s17 =	simm.s32 $0x1;
	s18 =	simm.s32 $0x11000;
	s19 =	simm.s32 $0x15000  }
0x8: {  	s20 =	simm.s32 $0x2;
	s21 =	simm.s32 $0x3;
	s22 =	simm.s32 $0x4  }
0x9: {  	s23 =	simm.s32 $0x0;
	s6 =	sand.u32 $0x1, s5;
	s5 =	simm.s32 $0x0  }
0xa: {  	s7 =	sshll.u32 s3, $0xA;
	s10 =	sadd.s32 $0x800, s4;
	s8 =	sshll.u32 s6, $0x9  }
0xb: {  	[smem:$0x7FF] =	sst s5;
	s9 =	ssub.s32 $0x2, s6;
	s8 =	sor.u32 s8, s7  }
0xc: {  	_ =	strace $0x80000047;
	s31 =	sshrl.u32 s9, $0x1;
	s6 =	sshrl.u32 s8, $0x3  }
0xd: {  	s12 =	ssub.s32 s9, s31;
	s8 =	sshll.u32 s8, $0x9;
	s7 =	sadd.s32 s0, s6  }
0xe: {  	v0 =	vimm.f32 $0.0e+00;
	s9 =	sadd.s32 s1, s8;
	s11 =	sor.u32 $0x2, s6;
	s12 =	smax.u32 s12, $0x1  }
.LBB2_1:
0xf: {  	[tilespmem:s5], [sflag:$0x5] =	stream.linear.gather [hbm4b:s2+s5], $0x1000, $0x38;
	[tilespmem:$0x19200] =	vst v63  }
0x10: {  	_ =	swait.ge [sflag:s13], $0x1000  }
0x11: {  	[sflag:s13] =	ssyncset.done $0x0  }
0x12: {  	[sflag:s13] =	ssyncadd.s32 $0xFFFFF000  }
0x13: {  	[tilespmem:$0x19000] =	vst v0  }
0x14: {  	[tilespmem:$0x19010] =	vst v0  }
0x15: {  	[tilespmem:$0x19020] =	vst v0  }
0x16: {  	[tilespmem:$0x19030] =	vst v0  }
0x17: {  	[tilespmem:$0x19040] =	vst v0  }
0x18: {  	[tilespmem:$0x19050] =	vst v0  }
0x19: {  	[tilespmem:$0x19060] =	vst v0  }
0x1a: {  	[tilespmem:$0x19070] =	vst v0  }
0x1b: {  	[tilespmem:$0x19080] =	vst v0  }
0x1c: {  	[tilespmem:$0x19090] =	vst v0  }
0x1d: {  	[tilespmem:$0x190A0] =	vst v0  }
0x1e: {  	[tilespmem:$0x190B0] =	vst v0  }
0x1f: {  	[tilespmem:$0x190C0] =	vst v0  }
0x20: {  	[tilespmem:$0x190D0] =	vst v0  }
0x21: {  	[tilespmem:$0x190E0] =	vst v0  }
0x22: {  	[tilespmem:$0x190F0] =	vst v0  }
0x23: {  	[tilespmem:$0x19100] =	vst v0  }
0x24: {  	[tilespmem:$0x19110] =	vst v0  }
0x25: {  	[tilespmem:$0x19120] =	vst v0  }
0x26: {  	[tilespmem:$0x19130] =	vst v0  }
0x27: {  	[tilespmem:$0x19140] =	vst v0  }
0x28: {  	[tilespmem:$0x19150] =	vst v0  }
0x29: {  	[tilespmem:$0x19160] =	vst v0  }
0x2a: {  	[tilespmem:$0x19170] =	vst v0  }
0x2b: {  	[tilespmem:$0x19180] =	vst v0  }
0x2c: {  	[tilespmem:$0x19190] =	vst v0  }
0x2d: {  	[tilespmem:$0x191A0] =	vst v0  }
0x2e: {  	[tilespmem:$0x191B0] =	vst v0  }
0x2f: {  	[tilespmem:$0x191C0] =	vst v0  }
0x30: {  	[tilespmem:$0x191D0] =	vst v0  }
0x31: {  	[tilespmem:$0x191E0] =	vst v0  }
0x32: {  	[tilespmem:$0x191F0] =	vst v0  }
0x33: {  	[hbm4b:s7+s5] =	stream.linear.scatter [tilespmem:s14], [sflag:$0x5], $0x200, $0x38;
	[tilespmem:$0x19200] =	vst v63  }
0x34: {  	_ =	swait.ge [sflag:s13], $0x200  }
0x35: {  	[sflag:s13] =	ssyncset.done $0x0  }
0x36: {  	s24 =	simm.s32 $0x0;
	[sflag:s13] =	ssyncadd.s32 $0xFFFFFE00  }
0x37: {  	[tilespmem:s15], [sflag:$0x1] =	stream.linear.gather [hbm4b:s9+s5], $0x8000, $0x38;
	[tilespmem:$0x19200] =	vst v63  }
.LBB2_2:
0x38: {  	s26 =	sshll.u32 s24, $0x1  }
0x39: {  	s0 =	sor.u32 s26, s6  }
0x3a: {  	s0 =	sshll.u32 s0, $0xC  }
0x3b: {  	s25 =	sor.u32 $0x1000, s0  }
0x3c: {  	s0 =	sadd.s32 s1, s25  }
0x3d: {  	[tilespmem:s16], [sflag:$0x2] =	stream.linear.gather [hbm4b:s0+s5], $0x8000, $0x38;
	[tilespmem:$0x19200] =	vst v63  }
0x3e: {  	_ =	swait.ge [sflag:s17], $0x8000  }
0x3f: {  	p0 =	seq.s32 s24, $0x0;
	[sflag:s17] =	ssyncset.done $0x0  }
0x40: {  	s0 =	simm.s32 @!p0 $0x3;
	[sflag:s17] =	ssyncadd.s32 $0xFFFF8000  }
0x41: {  	_ =	swait.ge @!p0 [sflag:s0], $0x4000  }
0x42: {  	[sflag:s0] =	ssyncset.done @!p0 $0x0  }
0x43: {  	[sflag:s0] =	ssyncadd.s32 @!p0 $0xFFFFC000;
	s0 =	simm.s32 $0x40  }
0x44: {  	v1 =	vld [tilespmem:s0+$0x30];
	_ =	sdelay $0x3  }
0x45: {  	v2 =	vld [tilespmem:s0+$0xFFFFFFD0]  }
0x46: {  	v3 =	vshll.u32 v1, $0x3  }
0x47: {  	v4 =	vld [tilespmem:s0+$0xFFFFFFE0];
	v1 =	vand.u32 $0x7F, v1;
	v3 =	vand.u32 $0xFFFFFC00, v3  }
0x48: {  	v6 =	vld [tilespmem:s0+$0xFFFFFFC0];
	v5 =	vor.u32 v1, v3;
	_ =	sdelay $0x1  }
0x49: {  	v3 =	vld [tilespmem:s0+$0xFFFFFFF0];
	v1 =	vshll.u32 v2, $0x3  }
0x4a: {  	v8 =	vld [tilespmem:s0+$0x10];
	v2 =	vand.u32 $0x7F, v2;
	v9 =	vand.u32 $0xFFFFFC00, v1  }
0x4b: {  	v7 =	vld [tilespmem:s0+$0x0];
	v1 =	vshll.u32 v4, $0x3;
	v2 =	vor.u32 v2, v9  }
0x4c: {  	v12 =	vor.u32 $0x80, v5;
	v10 =	vand.u32 $0xFFFFFC00, v1;
	v1 =	vshll.u32 v6, $0x3;
	v11 =	vld.idx.msk [tilespmem:v5+s15+$0x0], $0xffff  }
0x4d: {  	v13 =	vld [tilespmem:s0+$0x20];
	v4 =	vand.u32 $0x7F, v4;
	v6 =	vand.u32 $0x7F, v6;
	v1 =	vand.u32 $0xFFFFFC00, v1  }
0x4e: {  	v1 =	vor.u32 v6, v1;
	v14 =	vshll.u32 v3, $0x3;
	v9 =	vand.u32 $0x7F, v3  }
0x4f: {  	v3 =	vor.u32 v4, v10;
	v10 =	vshll.u32 v8, $0x3;
	v6 =	vand.u32 $0xFFFFFC00, v14  }
0x50: {  	s28 =	simm.s32 $0x11200;
	v14 =	vshll.u32 v7, $0x3;
	v4 =	vor.u32 v9, v6;
	v6 =	vand.u32 $0xFFFFFC00, v10;
	v10 =	vld.idx.msk [tilespmem:v2+s15+$0x0], $0xffff  }
0x51: {  	v16 =	vor.u32 $0x80, v2;
	v7 =	vand.u32 $0x7F, v7;
	v14 =	vand.u32 $0xFFFFFC00, v14;
	[tilespmem:s28+$0xFFFFFE70] =	vst v11  }
0x52: {  	v8 =	vand.u32 $0x7F, v8;
	v9 =	vshll.u32 v13, $0x3;
	v11 =	vor.u32 v7, v14;
	v7 =	vld.idx.msk [tilespmem:v12+s15+$0x0], $0xffff  }
0x53: {  	v12 =	vor.u32 v8, v6;
	v6 =	vld.idx.msk [tilespmem:v1+s15+$0x0], $0xffff;
	v8 =	vand.u32 $0xFFFFFC00, v9;
	v9 =	vand.u32 $0x7F, v13  }
0x54: {  	v14 =	vor.u32 $0x100, v5;
	v13 =	vor.u32 v9, v8;
	v8 =	vld.idx.msk [tilespmem:v3+s15+$0x0], $0xffff  }
0x55: {  	v9 =	vor.u32 $0x80, v1;
	v15 =	vld.idx.msk [tilespmem:v4+s15+$0x0], $0xffff;
	[tilespmem:s28+$0xFFFFFE10] =	vst v10  }
0x56: {  	v16 =	vld.idx.msk [tilespmem:v16+s15+$0x0], $0xffff  }
0x57: {  	v18 =	vor.u32 $0x80, v3;
	v17 =	vld.idx.msk [tilespmem:v11+s15+$0x0], $0xffff  }
0x58: {  	v19 =	vld.idx.msk [tilespmem:v12+s15+$0x0], $0xffff;
	[tilespmem:s28+$0xFFFFFEF0] =	vst v7;
	v7 =	vor.u32 $0x80, v4  }
0x59: {  	[tilespmem:s28+$0xFFFFFE00] =	vst v6;
	v6 =	vld.idx.msk [tilespmem:v14+s15+$0x0], $0xffff;
	v14 =	vor.u32 $0x80, v11  }
0x5a: {  	v20 =	vor.u32 $0x80, v12;
	v9 =	vld.idx.msk [tilespmem:v9+s15+$0x0], $0xffff;
	[tilespmem:s28+$0xFFFFFE20] =	vst v8  }
0x5b: {  	v10 =	vld.idx.msk [tilespmem:v13+s15+$0x0], $0xffff;
	v8 =	vor.u32 $0x180, v5;
	[tilespmem:s28+$0xFFFFFE30] =	vst v15  }
0x5c: {  	v15 =	vor.u32 $0x80, v13;
	v18 =	vld.idx.msk [tilespmem:v18+s15+$0x0], $0xffff;
	[tilespmem:s28+$0xFFFFFE40] =	vst v17  }
0x5d: {  	v17 =	vor.u32 $0x100, v1;
	v7 =	vld.idx.msk [tilespmem:v7+s15+$0x0], $0xffff;
	[tilespmem:s28+$0xFFFFFE50] =	vst v19  }
0x5e: {  	v19 =	vor.u32 $0x100, v2;
	v14 =	vld.idx.msk [tilespmem:v14+s15+$0x0], $0xffff;
	[tilespmem:s28+$0xFFFFFF70] =	vst v6  }
0x5f: {  	v6 =	vor.u32 $0x100, v3;
	[tilespmem:s28+$0xFFFFFE80] =	vst v9;
	v9 =	vld.idx.msk [tilespmem:v20+s15+$0x0], $0xffff  }
0x60: {  	[tilespmem:s28+$0xFFFFFE60] =	vst v10;
	v10 =	vor.u32 $0x100, v4;
	v8 =	vld.idx.msk [tilespmem:v8+s15+$0x0], $0xffff  }
0x61: {  	v61 =	vor.u32 $0x100, v11;
	[tilespmem:s28+$0xFFFFFE90] =	vst v16;
	v15 =	vld.idx.msk [tilespmem:v15+s15+$0x0], $0xffff  }
0x62: {  	[tilespmem:s28+$0xFFFFFEA0] =	vst v18;
	v18 =	vor.u32 $0x100, v12;
	v17 =	vld.idx.msk [tilespmem:v17+s15+$0x0], $0xffff  }
0x63: {  	v16 =	vor.u32 $0x200, v5;
	v19 =	vld.idx.msk [tilespmem:v19+s15+$0x0], $0xffff;
	[tilespmem:s28+$0xFFFFFEB0] =	vst v7  }
0x64: {  	v7 =	vor.u32 $0x100, v13;
	v6 =	vld.idx.msk [tilespmem:v6+s15+$0x0], $0xffff;
	[tilespmem:s28+$0xFFFFFEC0] =	vst v14  }
0x65: {  	v14 =	vor.u32 $0x180, v1;
	v10 =	vld.idx.msk [tilespmem:v10+s15+$0x0], $0xffff;
	[tilespmem:s28+$0xFFFFFED0] =	vst v9  }
0x66: {  	[tilespmem:s28+$0xFFFFFFF0] =	vst v8;
	v8 =	vor.u32 $0x180, v2;
	v20 =	vld.idx.msk [tilespmem:v61+s15+$0x0], $0xffff  }
0x67: {  	[tilespmem:s28+$0xFFFFFEE0] =	vst v15;
	v15 =	vld.idx.msk [tilespmem:v18+s15+$0x0], $0xffff;
	v18 =	vor.u32 $0x180, v4  }
0x68: {  	v9 =	vld.idx.msk [tilespmem:v16+s15+$0x0], $0xffff;
	v16 =	vor.u32 $0x180, v3;
	[tilespmem:s28+$0xFFFFFF00] =	vst v17  }
0x69: {  	v17 =	vor.u32 $0x280, v5;
	[tilespmem:s28+$0xFFFFFF10] =	vst v19;
	v7 =	vld.idx.msk [tilespmem:v7+s15+$0x0], $0xffff  }
0x6a: {  	v19 =	vor.u32 $0x180, v11;
	v14 =	vld.idx.msk [tilespmem:v14+s15+$0x0], $0xffff;
	[tilespmem:s28+$0xFFFFFF20] =	vst v6  }
0x6b: {  	v6 =	vor.u32 $0x180, v12;
	[tilespmem:s28+$0xFFFFFF30] =	vst v10;
	v8 =	vld.idx.msk [tilespmem:v8+s15+$0x0], $0xffff  }
0x6c: {  	v10 =	vor.u32 $0x180, v13;
	[tilespmem:s28+$0xFFFFFF40] =	vst v20;
	v18 =	vld.idx.msk [tilespmem:v18+s15+$0x0], $0xffff  }
0x6d: {  	v16 =	vld.idx.msk [tilespmem:v16+s15+$0x0], $0xffff;
	[tilespmem:s28+$0x70] =	vst v9;
	v9 =	vor.u32 $0x200, v1  }
0x6e: {  	v62 =	vor.u32 $0x200, v2;
	[tilespmem:s28+$0xFFFFFF50] =	vst v15;
	v17 =	vld.idx.msk [tilespmem:v17+s15+$0x0], $0xffff  }
0x6f: {  	v15 =	vld.idx.msk [tilespmem:v19+s15+$0x0], $0xffff;
	[tilespmem:s28+$0xFFFFFF60] =	vst v7;
	v7 =	vor.u32 $0x300, v5  }
0x70: {  	v19 =	vor.u32 $0x200, v3;
	[tilespmem:s28+$0xFFFFFF80] =	vst v14;
	v6 =	vld.idx.msk [tilespmem:v6+s15+$0x0], $0xffff  }
0x71: {  	v14 =	vor.u32 $0x200, v4;
	[tilespmem:s28+$0xFFFFFF90] =	vst v8;
	v8 =	vld.idx.msk [tilespmem:v10+s15+$0x0], $0xffff  }
0x72: {  	v10 =	vor.u32 $0x200, v11;
	v9 =	vld.idx.msk [tilespmem:v9+s15+$0x0], $0xffff;
	[tilespmem:s28+$0xFFFFFFA0] =	vst v16  }
0x73: {  	v16 =	vor.u32 $0x200, v12;
	v20 =	vld.idx.msk [tilespmem:v62+s15+$0x0], $0xffff;
	[tilespmem:s28+$0xF0] =	vst v17  }
0x74: {  	[tilespmem:s28+$0xFFFFFFB0] =	vst v18;
	v17 =	vor.u32 $0x200, v13;
	v7 =	vld.idx.msk [tilespmem:v7+s15+$0x0], $0xffff  }
0x75: {  	v18 =	vor.u32 $0x280, v1;
	v19 =	vld.idx.msk [tilespmem:v19+s15+$0x0], $0xffff;
	[tilespmem:s28+$0xFFFFFFC0] =	vst v15  }
0x76: {  	v5 =	vor.u32 $0x380, v5;
	v14 =	vld.idx.msk [tilespmem:v14+s15+$0x0], $0xffff;
	[tilespmem:s28+$0xFFFFFFD0] =	vst v6  }
0x77: {  	v6 =	vor.u32 $0x280, v2;
	v10 =	vld.idx.msk [tilespmem:v10+s15+$0x0], $0xffff;
	[tilespmem:s28+$0xFFFFFFE0] =	vst v8  }
0x78: {  	v8 =	vor.u32 $0x280, v3;
	[tilespmem:s28+$0x0] =	vst v9;
	v9 =	vld.idx.msk [tilespmem:v16+s15+$0x0], $0xffff  }
0x79: {  	v15 =	vor.u32 $0x280, v4;
	[tilespmem:s28+$0x10] =	vst v20;
	v16 =	vld.idx.msk [tilespmem:v17+s15+$0x0], $0xffff  }
0x7a: {  	v17 =	vor.u32 $0x280, v11;
	v18 =	vld.idx.msk [tilespmem:v18+s15+$0x0], $0xffff;
	[tilespmem:s28+$0x170] =	vst v7  }
0x7b: {  	v7 =	vor.u32 $0x280, v12;
	[tilespmem:s28+$0x20] =	vst v19;
	v5 =	vld.idx.msk [tilespmem:v5+s15+$0x0], $0xffff  }
0x7c: {  	v19 =	vor.u32 $0x280, v13;
	v6 =	vld.idx.msk [tilespmem:v6+s15+$0x0], $0xffff;
	[tilespmem:s28+$0x30] =	vst v14  }
0x7d: {  	v14 =	vor.u32 $0x300, v1;
	v8 =	vld.idx.msk [tilespmem:v8+s15+$0x0], $0xffff;
	[tilespmem:s28+$0x40] =	vst v10  }
0x7e: {  	v10 =	vor.u32 $0x300, v2;
	v63 =	vld.idx.msk [tilespmem:v15+s15+$0x0], $0xffff;
	[tilespmem:s28+$0x50] =	vst v9  }
0x7f: {  	v21 =	vor.u32 $0x300, v3;
	v22 =	vld.idx.msk [tilespmem:v17+s15+$0x0], $0xffff;
	[tilespmem:s28+$0x60] =	vst v16  }
0x80: {  	v23 =	vor.u32 $0x300, v4;
	[tilespmem:s28+$0x80] =	vst v18;
	v18 =	vld.idx.msk [tilespmem:v7+s15+$0x0], $0xffff  }
0x81: {  	v24 =	vor.u32 $0x300, v11;
	v16 =	vld.idx.msk [tilespmem:v19+s15+$0x0], $0xffff;
	[tilespmem:s28+$0x1F0] =	vst v5  }
0x82: {  	v15 =	vld.idx.msk [tilespmem:v14+s15+$0x0], $0xffff;
	[tilespmem:s28+$0x90] =	vst v6  }
0x83: {  	v14 =	vld.idx.msk [tilespmem:v10+s15+$0x0], $0xffff;
	[tilespmem:s28+$0xA0] =	vst v8  }
0x84: {  	v9 =	vor.u32 $0x300, v12;
	v7 =	vor.u32 $0x380, v2;
	v2 =	vor.u32 $0x380, v12;
	[tilespmem:s28+$0xB0] =	vst v63;
	v17 =	vld.idx.msk [tilespmem:v21+s15+$0x0], $0xffff  }
0x85: {  	v6 =	vor.u32 $0x380, v3;
	v5 =	vor.u32 $0x380, v4;
	v3 =	vor.u32 $0x380, v11;
	v4 =	vld.idx.msk [tilespmem:v23+s15+$0x0], $0xffff;
	[tilespmem:s28+$0xC0] =	vst v22  }
0x86: {  	s30 =	simm.s32 $0x0;
	s31 =	simm.s32 $0xC0;
	s29 =	simm.s32 $0x11200;
	v8 =	vor.u32 $0x380, v1;
	v10 =	vor.u32 $0x300, v13;
	v1 =	vor.u32 $0x380, v13;
	v11 =	vld.idx.msk [tilespmem:v24+s15+$0x0], $0xffff;
	[tilespmem:s28+$0xD0] =	vst v18  }
.LBB2_3:
0x87: {  	v12 =	vld [tilespmem:s31+$0x30];
	s30 =	sadd.s32 $0x8, s30;
	[tilespmem:s28+$0xE0] =	vst v16  }
0x88: {  	v13 =	vld [tilespmem:s31+$0xFFFFFFD0];
	p1 =	slt.u32 s30, $0x78;
	[tilespmem:s28+$0x100] =	vst v15  }
0x89: {  	v15 =	vld [tilespmem:s31+$0xFFFFFFE0];
	[tilespmem:s28+$0x110] =	vst v14  }
0x8a: {  	v14 =	vld [tilespmem:s31+$0xFFFFFFF0];
	[tilespmem:s28+$0x120] =	vst v17  }
0x8b: {  	v16 =	vld [tilespmem:s31+$0x0];
	[tilespmem:s28+$0x130] =	vst v4  }
0x8c: {  	v17 =	vld [tilespmem:s31+$0x10];
	v4 =	vshll.u32 v12, $0x3;
	[tilespmem:s28+$0x140] =	vst v11  }
0x8d: {  	v12 =	vand.u32 $0x7F, v12;
	v11 =	vshll.u32 v13, $0x3;
	v18 =	vld [tilespmem:s31+$0x20];
	v4 =	vand.u32 $0xFFFFFC00, v4  }
0x8e: {  	v19 =	vld [tilespmem:s31+$0xFFFFFFC0];
	v11 =	vand.u32 $0xFFFFFC00, v11;
	v20 =	vshll.u32 v15, $0x3;
	v4 =	vor.u32 v12, v4  }
0x8f: {  	v12 =	vand.u32 $0x7F, v13;
	v13 =	vand.u32 $0xFFFFFC00, v20;
	v20 =	vshll.u32 v14, $0x3;
	v9 =	vld.idx.msk [tilespmem:v9+s15+$0x0], $0xffff  }
0x90: {  	v15 =	vand.u32 $0x7F, v15;
	v20 =	vand.u32 $0xFFFFFC00, v20;
	v21 =	vshll.u32 v16, $0x3;
	v10 =	vld.idx.msk [tilespmem:v10+s15+$0x0], $0xffff  }
0x91: {  	v14 =	vand.u32 $0x7F, v14;
	v21 =	vand.u32 $0xFFFFFC00, v21;
	v22 =	vshll.u32 v17, $0x3;
	v8 =	vld.idx.msk [tilespmem:v8+s15+$0x0], $0xffff  }
0x92: {  	v16 =	vand.u32 $0x7F, v16;
	v22 =	vand.u32 $0xFFFFFC00, v22;
	v23 =	vshll.u32 v18, $0x3;
	v7 =	vld.idx.msk [tilespmem:v7+s15+$0x0], $0xffff  }
0x93: {  	v24 =	vand.u32 $0x7F, v19;
	v19 =	vshll.u32 v19, $0x3;
	v23 =	vand.u32 $0xFFFFFC00, v23;
	v25 =	vld.idx.msk [tilespmem:v4+s15+$0x0], $0xffff  }
0x94: {  	v17 =	vand.u32 $0x7F, v17;
	v18 =	vand.u32 $0x7F, v18;
	v19 =	vand.u32 $0xFFFFFC00, v19;
	v6 =	vld.idx.msk [tilespmem:v6+s15+$0x0], $0xffff  }
0x95: {  	v26 =	vor.u32 v12, v11;
	v11 =	vor.u32 $0x80, v4;
	v24 =	vor.u32 v24, v19;
	v5 =	vld.idx.msk [tilespmem:v5+s15+$0x0], $0xffff;
	[tilespmem:s28+$0x150] =	vst v9  }
0x96: {  	v27 =	vor.u32 v15, v13;
	v28 =	vor.u32 v14, v20;
	v29 =	vor.u32 v16, v21;
	[tilespmem:s28+$0x160] =	vst v10  }
0x97: {  	v22 =	vor.u32 v17, v22;
	v23 =	vor.u32 v18, v23;
	v9 =	vor.u32 $0x80, v24;
	[tilespmem:s28+$0x180] =	vst v8;
	v3 =	vld.idx.msk [tilespmem:v3+s15+$0x0], $0xffff  }
0x98: {  	v30 =	vor.u32 $0x80, v28;
	v10 =	vor.u32 $0x80, v27;
	v8 =	vor.u32 $0x80, v26;
	s28 =	sadd.s32 $0x400, s28;
	[tilespmem:s29+$0x190] =	vst v7;
	v2 =	vld.idx.msk [tilespmem:v2+s15+$0x0], $0xffff  }
0x99: {  	v31 =	vor.u32 $0x80, v29;
	v32 =	vor.u32 $0x80, v22;
	v33 =	vor.u32 $0x80, v23;
	[tilespmem:s28+$0xFFFFFE70] =	vst v25;
	v1 =	vld.idx.msk [tilespmem:v1+s15+$0x0], $0xffff  }
0x9a: {  	v34 =	vor.u32 $0x100, v26;
	v35 =	vor.u32 $0x100, v27;
	v25 =	vor.u32 $0x100, v24;
	v7 =	vld.idx.msk [tilespmem:v11+s15+$0x0], $0xffff;
	[tilespmem:s29+$0x1A0] =	vst v6  }
0x9b: {  	v36 =	vor.u32 $0x100, v28;
	v37 =	vor.u32 $0x100, v29;
	v38 =	vor.u32 $0x100, v22;
	v6 =	vld.idx.msk [tilespmem:v24+s15+$0x0], $0xffff;
	[tilespmem:s29+$0x1B0] =	vst v5  }
0x9c: {  	v40 =	vor.u32 $0x100, v23;
	v39 =	vor.u32 $0x180, v24;
	v11 =	vor.u32 $0x100, v4;
	v5 =	vld.idx.msk [tilespmem:v26+s15+$0x0], $0xffff  }
0x9d: {  	v41 =	vor.u32 $0x180, v26;
	v42 =	vor.u32 $0x180, v27;
	v43 =	vor.u32 $0x180, v28;
	v12 =	vld.idx.msk [tilespmem:v27+s15+$0x0], $0xffff;
	[tilespmem:s29+$0x1C0] =	vst v3  }
0x9e: {  	v44 =	vor.u32 $0x180, v29;
	v45 =	vor.u32 $0x180, v22;
	v46 =	vor.u32 $0x180, v23;
	v3 =	vld.idx.msk [tilespmem:v28+s15+$0x0], $0xffff;
	[tilespmem:s29+$0x1D0] =	vst v2  }
0x9f: {  	v48 =	vor.u32 $0x200, v26;
	v49 =	vor.u32 $0x200, v27;
	v47 =	vor.u32 $0x200, v24;
	v2 =	vld.idx.msk [tilespmem:v29+s15+$0x0], $0xffff;
	[tilespmem:s29+$0x1E0] =	vst v1;
	s29 =	smov.u32 s28  }
0xa0: {  	v50 =	vor.u32 $0x200, v28;
	v51 =	vor.u32 $0x200, v29;
	v52 =	vor.u32 $0x200, v22;
	v1 =	vld.idx.msk [tilespmem:v22+s15+$0x0], $0xffff;
	[tilespmem:s28+$0xFFFFFEF0] =	vst v7  }
0xa1: {  	v19 =	vor.u32 $0x280, v26;
	v54 =	vor.u32 $0x200, v23;
	v53 =	vor.u32 $0x280, v24;
	[tilespmem:s28+$0xFFFFFE00] =	vst v6;
	v55 =	vld.idx.msk [tilespmem:v11+s15+$0x0], $0xffff  }
0xa2: {  	v21 =	vor.u32 $0x280, v27;
	v20 =	vor.u32 $0x280, v28;
	v16 =	vor.u32 $0x280, v29;
	[tilespmem:s28+$0xFFFFFE10] =	vst v5;
	v56 =	vld.idx.msk [tilespmem:v23+s15+$0x0], $0xffff  }
0xa3: {  	v58 =	vor.u32 $0x180, v4;
	v18 =	vor.u32 $0x280, v22;
	v17 =	vor.u32 $0x280, v23;
	v57 =	vld.idx.msk [tilespmem:v9+s15+$0x0], $0xffff;
	[tilespmem:s28+$0xFFFFFE20] =	vst v12  }
0xa4: {  	v14 =	vor.u32 $0x300, v26;
	v15 =	vor.u32 $0x300, v24;
	v11 =	vor.u32 $0x300, v27;
	v59 =	vld.idx.msk [tilespmem:v8+s15+$0x0], $0xffff;
	[tilespmem:s28+$0xFFFFFE30] =	vst v3  }
0xa5: {  	v13 =	vor.u32 $0x300, v28;
	v12 =	vor.u32 $0x300, v29;
	v9 =	vor.u32 $0x300, v22;
	v60 =	vld.idx.msk [tilespmem:v10+s15+$0x0], $0xffff;
	[tilespmem:s28+$0xFFFFFE40] =	vst v2  }
0xa6: {  	v7 =	vor.u32 $0x380, v26;
	v8 =	vor.u32 $0x380, v24;
	v10 =	vor.u32 $0x300, v23;
	v24 =	vld.idx.msk [tilespmem:v30+s15+$0x0], $0xffff;
	[tilespmem:s28+$0xFFFFFE50] =	vst v1  }
0xa7: {  	v6 =	vor.u32 $0x380, v27;
	v5 =	vor.u32 $0x380, v28;
	v3 =	vor.u32 $0x380, v29;
	v26 =	vld.idx.msk [tilespmem:v31+s15+$0x0], $0xffff;
	[tilespmem:s28+$0xFFFFFF70] =	vst v55  }
0xa8: {  	v2 =	vor.u32 $0x380, v22;
	v1 =	vor.u32 $0x380, v23;
	[tilespmem:s28+$0xFFFFFE60] =	vst v56;
	v22 =	vld.idx.msk [tilespmem:v58+s15+$0x0], $0xffff  }
0xa9: {  	[tilespmem:s28+$0xFFFFFE80] =	vst v57;
	v23 =	vld.idx.msk [tilespmem:v32+s15+$0x0], $0xffff  }
0xaa: {  	v28 =	vor.u32 $0x200, v4;
	[tilespmem:s28+$0xFFFFFE90] =	vst v59;
	v27 =	vld.idx.msk [tilespmem:v33+s15+$0x0], $0xffff  }
0xab: {  	v25 =	vld.idx.msk [tilespmem:v25+s15+$0x0], $0xffff;
	[tilespmem:s28+$0xFFFFFEA0] =	vst v60  }
0xac: {  	v29 =	vld.idx.msk [tilespmem:v34+s15+$0x0], $0xffff;
	[tilespmem:s28+$0xFFFFFEB0] =	vst v24  }
0xad: {  	v24 =	vld.idx.msk [tilespmem:v35+s15+$0x0], $0xffff;
	[tilespmem:s28+$0xFFFFFEC0] =	vst v26  }
0xae: {  	v26 =	vld.idx.msk [tilespmem:v36+s15+$0x0], $0xffff;
	[tilespmem:s28+$0xFFFFFFF0] =	vst v22  }
0xaf: {  	[tilespmem:s28+$0xFFFFFED0] =	vst v23;
	v22 =	vld.idx.msk [tilespmem:v28+s15+$0x0], $0xffff  }
0xb0: {  	v23 =	vld.idx.msk [tilespmem:v37+s15+$0x0], $0xffff;
	[tilespmem:s28+$0xFFFFFEE0] =	vst v27  }
0xb1: {  	v27 =	vor.u32 $0x280, v4;
	[tilespmem:s28+$0xFFFFFF00] =	vst v25;
	v25 =	vld.idx.msk [tilespmem:v38+s15+$0x0], $0xffff  }
0xb2: {  	[tilespmem:s28+$0xFFFFFF10] =	vst v29;
	v28 =	vld.idx.msk [tilespmem:v40+s15+$0x0], $0xffff  }
0xb3: {  	v29 =	vld.idx.msk [tilespmem:v39+s15+$0x0], $0xffff;
	[tilespmem:s28+$0xFFFFFF20] =	vst v24  }
0xb4: {  	v24 =	vld.idx.msk [tilespmem:v41+s15+$0x0], $0xffff;
	[tilespmem:s28+$0xFFFFFF30] =	vst v26  }
0xb5: {  	v26 =	vld.idx.msk [tilespmem:v42+s15+$0x0], $0xffff;
	[tilespmem:s28+$0x70] =	vst v22  }
0xb6: {  	[tilespmem:s28+$0xFFFFFF40] =	vst v23;
	v22 =	vld.idx.msk [tilespmem:v27+s15+$0x0], $0xffff  }
0xb7: {  	v23 =	vld.idx.msk [tilespmem:v43+s15+$0x0], $0xffff;
	[tilespmem:s28+$0xFFFFFF50] =	vst v25  }
0xb8: {  	v27 =	vor.u32 $0x300, v4;
	v25 =	vld.idx.msk [tilespmem:v44+s15+$0x0], $0xffff;
	[tilespmem:s28+$0xFFFFFF60] =	vst v28  }
0xb9: {  	[tilespmem:s28+$0xFFFFFF80] =	vst v29;
	v28 =	vld.idx.msk [tilespmem:v45+s15+$0x0], $0xffff  }
0xba: {  	[tilespmem:s28+$0xFFFFFF90] =	vst v24;
	v24 =	vld.idx.msk [tilespmem:v46+s15+$0x0], $0xffff  }
0xbb: {  	v29 =	vld.idx.msk [tilespmem:v47+s15+$0x0], $0xffff;
	[tilespmem:s28+$0xFFFFFFA0] =	vst v26  }
0xbc: {  	v26 =	vld.idx.msk [tilespmem:v48+s15+$0x0], $0xffff;
	[tilespmem:s28+$0xF0] =	vst v22  }
0xbd: {  	[tilespmem:s28+$0xFFFFFFB0] =	vst v23;
	v22 =	vld.idx.msk [tilespmem:v27+s15+$0x0], $0xffff  }
0xbe: {  	v23 =	vld.idx.msk [tilespmem:v49+s15+$0x0], $0xffff;
	[tilespmem:s28+$0xFFFFFFC0] =	vst v25  }
0xbf: {  	v4 =	vor.u32 $0x380, v4;
	v25 =	vld.idx.msk [tilespmem:v50+s15+$0x0], $0xffff;
	[tilespmem:s28+$0xFFFFFFD0] =	vst v28  }
0xc0: {  	v27 =	vld.idx.msk [tilespmem:v51+s15+$0x0], $0xffff;
	[tilespmem:s28+$0xFFFFFFE0] =	vst v24  }
0xc1: {  	[tilespmem:s28+$0x0] =	vst v29;
	v24 =	vld.idx.msk [tilespmem:v52+s15+$0x0], $0xffff  }
0xc2: {  	[tilespmem:s28+$0x10] =	vst v26;
	v26 =	vld.idx.msk [tilespmem:v54+s15+$0x0], $0xffff  }
0xc3: {  	v28 =	vld.idx.msk [tilespmem:v53+s15+$0x0], $0xffff;
	[tilespmem:s28+$0x170] =	vst v22  }
0xc4: {  	[tilespmem:s28+$0x20] =	vst v23;
	v4 =	vld.idx.msk [tilespmem:v4+s15+$0x0], $0xffff  }
0xc5: {  	v19 =	vld.idx.msk [tilespmem:v19+s15+$0x0], $0xffff;
	[tilespmem:s28+$0x30] =	vst v25  }
0xc6: {  	v21 =	vld.idx.msk [tilespmem:v21+s15+$0x0], $0xffff;
	[tilespmem:s28+$0x40] =	vst v27  }
0xc7: {  	v20 =	vld.idx.msk [tilespmem:v20+s15+$0x0], $0xffff;
	[tilespmem:s28+$0x50] =	vst v24  }
0xc8: {  	v22 =	vld.idx.msk [tilespmem:v16+s15+$0x0], $0xffff;
	[tilespmem:s28+$0x60] =	vst v26  }
0xc9: {  	[tilespmem:s28+$0x80] =	vst v28;
	v18 =	vld.idx.msk [tilespmem:v18+s15+$0x0], $0xffff  }
0xca: {  	v16 =	vld.idx.msk [tilespmem:v17+s15+$0x0], $0xffff;
	[tilespmem:s28+$0x1F0] =	vst v4  }
.Ltmp0:
0xcb: {  	v15 =	vld.idx.msk [tilespmem:v15+s15+$0x0], $0xffff;
	[tilespmem:s28+$0x90] =	vst v19;
	(pc) =	sbr.rel @p1 .LBB2_3-.Ltmp0, $4  }
0xcc: {  	v14 =	vld.idx.msk [tilespmem:v14+s15+$0x0], $0xffff;
	[tilespmem:s28+$0xA0] =	vst v21  }
0xcd: {  	v17 =	vld.idx.msk [tilespmem:v11+s15+$0x0], $0xffff;
	[tilespmem:s28+$0xB0] =	vst v20  }
0xce: {  	v4 =	vld.idx.msk [tilespmem:v13+s15+$0x0], $0xffff;
	[tilespmem:s28+$0xC0] =	vst v22  }
0xcf: {  	s31 =	sadd.s32 $0x80, s31;
	v11 =	vld.idx.msk [tilespmem:v12+s15+$0x0], $0xffff;
	[tilespmem:s28+$0xD0] =	vst v18  }
0xd0: {  	_ =	sdelay $0x2  }
0xd1: {  	[tilespmem:s28+$0xE0] =	vst v16  }
0xd2: {  	[tilespmem:s28+$0x100] =	vst v15;
	v9 =	vld.idx.msk [tilespmem:v9+s15+$0x0], $0xffff  }
0xd3: {  	[tilespmem:s28+$0x110] =	vst v14;
	v10 =	vld.idx.msk [tilespmem:v10+s15+$0x0], $0xffff  }
0xd4: {  	v8 =	vld.idx.msk [tilespmem:v8+s15+$0x0], $0xffff;
	[tilespmem:s28+$0x120] =	vst v17  }
0xd5: {  	[tilespmem:s28+$0x130] =	vst v4;
	v4 =	vld.idx.msk [tilespmem:v7+s15+$0x0], $0xffff  }
0xd6: {  	v6 =	vld.idx.msk [tilespmem:v6+s15+$0x0], $0xffff;
	[tilespmem:s28+$0x140] =	vst v11  }
0xd7: {  	v5 =	vld.idx.msk [tilespmem:v5+s15+$0x0], $0xffff;
	[tilespmem:s28+$0x150] =	vst v9  }
0xd8: {  	v3 =	vld.idx.msk [tilespmem:v3+s15+$0x0], $0xffff;
	[tilespmem:s28+$0x160] =	vst v10  }
0xd9: {  	[tilespmem:s28+$0x180] =	vst v8;
	v2 =	vld.idx.msk [tilespmem:v2+s15+$0x0], $0xffff  }
0xda: {  	v1 =	vld.idx.msk [tilespmem:v1+s15+$0x0], $0xffff;
	[tilespmem:s29+$0x190] =	vst v4  }
0xdb: {  	[tilespmem:s29+$0x1A0] =	vst v6  }
0xdc: {  	[tilespmem:s29+$0x1B0] =	vst v5  }
0xdd: {  	s0 =	sshll.u32 s24, $0xD;
	[tilespmem:s29+$0x1C0] =	vst v3  }
0xde: {  	s28 =	sadd.s32 s8, s0;
	[tilespmem:s29+$0x1D0] =	vst v2  }
0xdf: {  	s0 =	sadd.s32 s4, s28;
	[tilespmem:s29+$0x1E0] =	vst v1  }
0xe0: {  	[hbm4b:s0+s5] =	stream.linear.scatter [tilespmem:s18], [sflag:$0x3], $0x4000, $0x38;
	[tilespmem:$0x19200] =	vst v63  }
0xe1: {  	s0 =	simm.s32 @!p0 $0x4  }
0xe2: {  	_ =	swait.ge @!p0 [sflag:s0], $0x4000  }
0xe3: {  	[sflag:s0] =	ssyncset.done @!p0 $0x0  }
0xe4: {  	[sflag:s0] =	ssyncadd.s32 @!p0 $0xFFFFC000;
	s0 =	simm.s32 $0x870  }
0xe5: {  	v1 =	vld [tilespmem:s0+$0x0];
	_ =	sdelay $0x3  }
0xe6: {  	v2 =	vld [tilespmem:s0+$0xFFFFFFA0]  }
0xe7: {  	v3 =	vshll.u32 v1, $0x3  }
0xe8: {  	v4 =	vld [tilespmem:s0+$0xFFFFFFB0];
	v1 =	vand.u32 $0x7F, v1;
	v3 =	vand.u32 $0xFFFFFC00, v3  }
0xe9: {  	v6 =	vld [tilespmem:s0+$0xFFFFFF90];
	v5 =	vor.u32 v1, v3;
	_ =	sdelay $0x1  }
0xea: {  	v3 =	vld [tilespmem:s0+$0xFFFFFFC0];
	v1 =	vshll.u32 v2, $0x3  }
0xeb: {  	v8 =	vld [tilespmem:s0+$0xFFFFFFE0];
	v2 =	vand.u32 $0x7F, v2;
	v9 =	vand.u32 $0xFFFFFC00, v1  }
0xec: {  	v7 =	vld [tilespmem:s0+$0xFFFFFFD0];
	v1 =	vshll.u32 v4, $0x3;
	v2 =	vor.u32 v2, v9  }
0xed: {  	v12 =	vor.u32 $0x80, v5;
	v10 =	vand.u32 $0xFFFFFC00, v1;
	v1 =	vshll.u32 v6, $0x3;
	v11 =	vld.idx.msk [tilespmem:v5+s15+$0x0], $0xffff  }
0xee: {  	v13 =	vld [tilespmem:s0+$0xFFFFFFF0];
	v4 =	vand.u32 $0x7F, v4;
	v6 =	vand.u32 $0x7F, v6;
	v1 =	vand.u32 $0xFFFFFC00, v1  }
0xef: {  	v1 =	vor.u32 v6, v1;
	v14 =	vshll.u32 v3, $0x3;
	v9 =	vand.u32 $0x7F, v3  }
0xf0: {  	v3 =	vor.u32 v4, v10;
	v10 =	vshll.u32 v8, $0x3;
	v6 =	vand.u32 $0xFFFFFC00, v14  }
0xf1: {  	s29 =	simm.s32 $0x15200;
	v14 =	vshll.u32 v7, $0x3;
	v4 =	vor.u32 v9, v6;
	v6 =	vand.u32 $0xFFFFFC00, v10;
	v10 =	vld.idx.msk [tilespmem:v2+s15+$0x0], $0xffff  }
0xf2: {  	v16 =	vor.u32 $0x80, v2;
	v7 =	vand.u32 $0x7F, v7;
	v14 =	vand.u32 $0xFFFFFC00, v14;
	[tilespmem:s29+$0xFFFFFE70] =	vst v11  }
0xf3: {  	v8 =	vand.u32 $0x7F, v8;
	v9 =	vshll.u32 v13, $0x3;
	v11 =	vor.u32 v7, v14;
	v7 =	vld.idx.msk [tilespmem:v12+s15+$0x0], $0xffff  }
0xf4: {  	v12 =	vor.u32 v8, v6;
	v6 =	vld.idx.msk [tilespmem:v1+s15+$0x0], $0xffff;
	v8 =	vand.u32 $0xFFFFFC00, v9;
	v9 =	vand.u32 $0x7F, v13  }
0xf5: {  	v14 =	vor.u32 $0x100, v5;
	v13 =	vor.u32 v9, v8;
	v8 =	vld.idx.msk [tilespmem:v3+s15+$0x0], $0xffff  }
0xf6: {  	v9 =	vor.u32 $0x80, v1;
	v15 =	vld.idx.msk [tilespmem:v4+s15+$0x0], $0xffff;
	[tilespmem:s29+$0xFFFFFE10] =	vst v10  }
0xf7: {  	v16 =	vld.idx.msk [tilespmem:v16+s15+$0x0], $0xffff  }
0xf8: {  	v18 =	vor.u32 $0x80, v3;
	v17 =	vld.idx.msk [tilespmem:v11+s15+$0x0], $0xffff  }
0xf9: {  	v19 =	vld.idx.msk [tilespmem:v12+s15+$0x0], $0xffff;
	[tilespmem:s29+$0xFFFFFEF0] =	vst v7;
	v7 =	vor.u32 $0x80, v4  }
0xfa: {  	[tilespmem:s29+$0xFFFFFE00] =	vst v6;
	v6 =	vld.idx.msk [tilespmem:v14+s15+$0x0], $0xffff;
	v14 =	vor.u32 $0x80, v11  }
0xfb: {  	v20 =	vor.u32 $0x80, v12;
	v9 =	vld.idx.msk [tilespmem:v9+s15+$0x0], $0xffff;
	[tilespmem:s29+$0xFFFFFE20] =	vst v8  }
0xfc: {  	v10 =	vld.idx.msk [tilespmem:v13+s15+$0x0], $0xffff;
	v8 =	vor.u32 $0x180, v5;
	[tilespmem:s29+$0xFFFFFE30] =	vst v15  }
0xfd: {  	v15 =	vor.u32 $0x80, v13;
	v18 =	vld.idx.msk [tilespmem:v18+s15+$0x0], $0xffff;
	[tilespmem:s29+$0xFFFFFE40] =	vst v17  }
0xfe: {  	v17 =	vor.u32 $0x100, v1;
	v7 =	vld.idx.msk [tilespmem:v7+s15+$0x0], $0xffff;
	[tilespmem:s29+$0xFFFFFE50] =	vst v19  }
0xff: {  	v19 =	vor.u32 $0x100, v2;
	v14 =	vld.idx.msk [tilespmem:v14+s15+$0x0], $0xffff;
	[tilespmem:s29+$0xFFFFFF70] =	vst v6  }
0x100: {  	v6 =	vor.u32 $0x100, v3;
	[tilespmem:s29+$0xFFFFFE80] =	vst v9;
	v9 =	vld.idx.msk [tilespmem:v20+s15+$0x0], $0xffff  }
0x101: {  	[tilespmem:s29+$0xFFFFFE60] =	vst v10;
	v10 =	vor.u32 $0x100, v4;
	v8 =	vld.idx.msk [tilespmem:v8+s15+$0x0], $0xffff  }
0x102: {  	v61 =	vor.u32 $0x100, v11;
	[tilespmem:s29+$0xFFFFFE90] =	vst v16;
	v15 =	vld.idx.msk [tilespmem:v15+s15+$0x0], $0xffff  }
0x103: {  	[tilespmem:s29+$0xFFFFFEA0] =	vst v18;
	v18 =	vor.u32 $0x100, v12;
	v17 =	vld.idx.msk [tilespmem:v17+s15+$0x0], $0xffff  }
0x104: {  	v16 =	vor.u32 $0x200, v5;
	v19 =	vld.idx.msk [tilespmem:v19+s15+$0x0], $0xffff;
	[tilespmem:s29+$0xFFFFFEB0] =	vst v7  }
0x105: {  	v7 =	vor.u32 $0x100, v13;
	v6 =	vld.idx.msk [tilespmem:v6+s15+$0x0], $0xffff;
	[tilespmem:s29+$0xFFFFFEC0] =	vst v14  }
0x106: {  	v14 =	vor.u32 $0x180, v1;
	v10 =	vld.idx.msk [tilespmem:v10+s15+$0x0], $0xffff;
	[tilespmem:s29+$0xFFFFFED0] =	vst v9  }
0x107: {  	[tilespmem:s29+$0xFFFFFFF0] =	vst v8;
	v8 =	vor.u32 $0x180, v2;
	v20 =	vld.idx.msk [tilespmem:v61+s15+$0x0], $0xffff  }
0x108: {  	[tilespmem:s29+$0xFFFFFEE0] =	vst v15;
	v15 =	vld.idx.msk [tilespmem:v18+s15+$0x0], $0xffff;
	v18 =	vor.u32 $0x180, v4  }
0x109: {  	v9 =	vld.idx.msk [tilespmem:v16+s15+$0x0], $0xffff;
	v16 =	vor.u32 $0x180, v3;
	[tilespmem:s29+$0xFFFFFF00] =	vst v17  }
0x10a: {  	v17 =	vor.u32 $0x280, v5;
	[tilespmem:s29+$0xFFFFFF10] =	vst v19;
	v7 =	vld.idx.msk [tilespmem:v7+s15+$0x0], $0xffff  }
0x10b: {  	v19 =	vor.u32 $0x180, v11;
	v14 =	vld.idx.msk [tilespmem:v14+s15+$0x0], $0xffff;
	[tilespmem:s29+$0xFFFFFF20] =	vst v6  }
0x10c: {  	v6 =	vor.u32 $0x180, v12;
	[tilespmem:s29+$0xFFFFFF30] =	vst v10;
	v8 =	vld.idx.msk [tilespmem:v8+s15+$0x0], $0xffff  }
0x10d: {  	v10 =	vor.u32 $0x180, v13;
	[tilespmem:s29+$0xFFFFFF40] =	vst v20;
	v18 =	vld.idx.msk [tilespmem:v18+s15+$0x0], $0xffff  }
0x10e: {  	v16 =	vld.idx.msk [tilespmem:v16+s15+$0x0], $0xffff;
	[tilespmem:s29+$0x70] =	vst v9;
	v9 =	vor.u32 $0x200, v1  }
0x10f: {  	v62 =	vor.u32 $0x200, v2;
	[tilespmem:s29+$0xFFFFFF50] =	vst v15;
	v17 =	vld.idx.msk [tilespmem:v17+s15+$0x0], $0xffff  }
0x110: {  	v15 =	vld.idx.msk [tilespmem:v19+s15+$0x0], $0xffff;
	[tilespmem:s29+$0xFFFFFF60] =	vst v7;
	v7 =	vor.u32 $0x300, v5  }
0x111: {  	v19 =	vor.u32 $0x200, v3;
	[tilespmem:s29+$0xFFFFFF80] =	vst v14;
	v6 =	vld.idx.msk [tilespmem:v6+s15+$0x0], $0xffff  }
0x112: {  	v14 =	vor.u32 $0x200, v4;
	[tilespmem:s29+$0xFFFFFF90] =	vst v8;
	v8 =	vld.idx.msk [tilespmem:v10+s15+$0x0], $0xffff  }
0x113: {  	v10 =	vor.u32 $0x200, v11;
	v9 =	vld.idx.msk [tilespmem:v9+s15+$0x0], $0xffff;
	[tilespmem:s29+$0xFFFFFFA0] =	vst v16  }
0x114: {  	v16 =	vor.u32 $0x200, v12;
	v20 =	vld.idx.msk [tilespmem:v62+s15+$0x0], $0xffff;
	[tilespmem:s29+$0xF0] =	vst v17  }
0x115: {  	[tilespmem:s29+$0xFFFFFFB0] =	vst v18;
	v17 =	vor.u32 $0x200, v13;
	v7 =	vld.idx.msk [tilespmem:v7+s15+$0x0], $0xffff  }
0x116: {  	v18 =	vor.u32 $0x280, v1;
	v19 =	vld.idx.msk [tilespmem:v19+s15+$0x0], $0xffff;
	[tilespmem:s29+$0xFFFFFFC0] =	vst v15  }
0x117: {  	v5 =	vor.u32 $0x380, v5;
	v14 =	vld.idx.msk [tilespmem:v14+s15+$0x0], $0xffff;
	[tilespmem:s29+$0xFFFFFFD0] =	vst v6  }
0x118: {  	v6 =	vor.u32 $0x280, v2;
	v10 =	vld.idx.msk [tilespmem:v10+s15+$0x0], $0xffff;
	[tilespmem:s29+$0xFFFFFFE0] =	vst v8  }
0x119: {  	v8 =	vor.u32 $0x280, v3;
	[tilespmem:s29+$0x0] =	vst v9;
	v9 =	vld.idx.msk [tilespmem:v16+s15+$0x0], $0xffff  }
0x11a: {  	v15 =	vor.u32 $0x280, v4;
	[tilespmem:s29+$0x10] =	vst v20;
	v16 =	vld.idx.msk [tilespmem:v17+s15+$0x0], $0xffff  }
0x11b: {  	v17 =	vor.u32 $0x280, v11;
	v18 =	vld.idx.msk [tilespmem:v18+s15+$0x0], $0xffff;
	[tilespmem:s29+$0x170] =	vst v7  }
0x11c: {  	v7 =	vor.u32 $0x280, v12;
	[tilespmem:s29+$0x20] =	vst v19;
	v5 =	vld.idx.msk [tilespmem:v5+s15+$0x0], $0xffff  }
0x11d: {  	v19 =	vor.u32 $0x280, v13;
	v6 =	vld.idx.msk [tilespmem:v6+s15+$0x0], $0xffff;
	[tilespmem:s29+$0x30] =	vst v14  }
0x11e: {  	v14 =	vor.u32 $0x300, v1;
	v8 =	vld.idx.msk [tilespmem:v8+s15+$0x0], $0xffff;
	[tilespmem:s29+$0x40] =	vst v10  }
0x11f: {  	v10 =	vor.u32 $0x300, v2;
	v63 =	vld.idx.msk [tilespmem:v15+s15+$0x0], $0xffff;
	[tilespmem:s29+$0x50] =	vst v9  }
0x120: {  	v21 =	vor.u32 $0x300, v3;
	v22 =	vld.idx.msk [tilespmem:v17+s15+$0x0], $0xffff;
	[tilespmem:s29+$0x60] =	vst v16  }
0x121: {  	v23 =	vor.u32 $0x300, v4;
	[tilespmem:s29+$0x80] =	vst v18;
	v18 =	vld.idx.msk [tilespmem:v7+s15+$0x0], $0xffff  }
0x122: {  	v24 =	vor.u32 $0x300, v11;
	v16 =	vld.idx.msk [tilespmem:v19+s15+$0x0], $0xffff;
	[tilespmem:s29+$0x1F0] =	vst v5  }
0x123: {  	v15 =	vld.idx.msk [tilespmem:v14+s15+$0x0], $0xffff;
	[tilespmem:s29+$0x90] =	vst v6  }
0x124: {  	v14 =	vld.idx.msk [tilespmem:v10+s15+$0x0], $0xffff;
	[tilespmem:s29+$0xA0] =	vst v8  }
0x125: {  	v9 =	vor.u32 $0x300, v12;
	v7 =	vor.u32 $0x380, v2;
	v2 =	vor.u32 $0x380, v12;
	[tilespmem:s29+$0xB0] =	vst v63;
	v17 =	vld.idx.msk [tilespmem:v21+s15+$0x0], $0xffff  }
0x126: {  	v6 =	vor.u32 $0x380, v3;
	v5 =	vor.u32 $0x380, v4;
	v3 =	vor.u32 $0x380, v11;
	v4 =	vld.idx.msk [tilespmem:v23+s15+$0x0], $0xffff;
	[tilespmem:s29+$0xC0] =	vst v22  }
0x127: {  	s31 =	simm.s32 $0x0;
	s30 =	simm.s32 $0x15200;
	s0 =	simm.s32 $0x8F0;
	v8 =	vor.u32 $0x380, v1;
	v10 =	vor.u32 $0x300, v13;
	v1 =	vor.u32 $0x380, v13;
	v11 =	vld.idx.msk [tilespmem:v24+s15+$0x0], $0xffff;
	[tilespmem:s29+$0xD0] =	vst v18  }
.LBB2_5:
0x128: {  	v12 =	vld [tilespmem:s0+$0x0];
	s31 =	sadd.s32 $0x8, s31;
	[tilespmem:s29+$0xE0] =	vst v16  }
0x129: {  	v13 =	vld [tilespmem:s0+$0xFFFFFFA0];
	p0 =	slt.u32 s31, $0x78;
	[tilespmem:s29+$0x100] =	vst v15  }
0x12a: {  	v15 =	vld [tilespmem:s0+$0xFFFFFFB0];
	[tilespmem:s29+$0x110] =	vst v14  }
0x12b: {  	v14 =	vld [tilespmem:s0+$0xFFFFFFC0];
	[tilespmem:s29+$0x120] =	vst v17  }
0x12c: {  	v16 =	vld [tilespmem:s0+$0xFFFFFFD0];
	[tilespmem:s29+$0x130] =	vst v4  }
0x12d: {  	v17 =	vld [tilespmem:s0+$0xFFFFFFE0];
	v4 =	vshll.u32 v12, $0x3;
	[tilespmem:s29+$0x140] =	vst v11  }
0x12e: {  	v12 =	vand.u32 $0x7F, v12;
	v11 =	vshll.u32 v13, $0x3;
	v18 =	vld [tilespmem:s0+$0xFFFFFFF0];
	v4 =	vand.u32 $0xFFFFFC00, v4  }
0x12f: {  	v19 =	vld [tilespmem:s0+$0xFFFFFF90];
	v11 =	vand.u32 $0xFFFFFC00, v11;
	v20 =	vshll.u32 v15, $0x3;
	v4 =	vor.u32 v12, v4  }
0x130: {  	v12 =	vand.u32 $0x7F, v13;
	v13 =	vand.u32 $0xFFFFFC00, v20;
	v20 =	vshll.u32 v14, $0x3;
	v9 =	vld.idx.msk [tilespmem:v9+s15+$0x0], $0xffff  }
0x131: {  	v15 =	vand.u32 $0x7F, v15;
	v20 =	vand.u32 $0xFFFFFC00, v20;
	v21 =	vshll.u32 v16, $0x3;
	v10 =	vld.idx.msk [tilespmem:v10+s15+$0x0], $0xffff  }
0x132: {  	v14 =	vand.u32 $0x7F, v14;
	v21 =	vand.u32 $0xFFFFFC00, v21;
	v22 =	vshll.u32 v17, $0x3;
	v8 =	vld.idx.msk [tilespmem:v8+s15+$0x0], $0xffff  }
0x133: {  	v16 =	vand.u32 $0x7F, v16;
	v22 =	vand.u32 $0xFFFFFC00, v22;
	v23 =	vshll.u32 v18, $0x3;
	v7 =	vld.idx.msk [tilespmem:v7+s15+$0x0], $0xffff  }
0x134: {  	v24 =	vand.u32 $0x7F, v19;
	v19 =	vshll.u32 v19, $0x3;
	v23 =	vand.u32 $0xFFFFFC00, v23;
	v25 =	vld.idx.msk [tilespmem:v4+s15+$0x0], $0xffff  }
0x135: {  	v17 =	vand.u32 $0x7F, v17;
	v18 =	vand.u32 $0x7F, v18;
	v19 =	vand.u32 $0xFFFFFC00, v19;
	v6 =	vld.idx.msk [tilespmem:v6+s15+$0x0], $0xffff  }
0x136: {  	v26 =	vor.u32 v12, v11;
	v11 =	vor.u32 $0x80, v4;
	v24 =	vor.u32 v24, v19;
	v5 =	vld.idx.msk [tilespmem:v5+s15+$0x0], $0xffff;
	[tilespmem:s29+$0x150] =	vst v9  }
0x137: {  	v27 =	vor.u32 v15, v13;
	v28 =	vor.u32 v14, v20;
	v29 =	vor.u32 v16, v21;
	[tilespmem:s29+$0x160] =	vst v10  }
0x138: {  	v22 =	vor.u32 v17, v22;
	v23 =	vor.u32 v18, v23;
	v9 =	vor.u32 $0x80, v24;
	[tilespmem:s29+$0x180] =	vst v8;
	v3 =	vld.idx.msk [tilespmem:v3+s15+$0x0], $0xffff  }
0x139: {  	v30 =	vor.u32 $0x80, v28;
	v10 =	vor.u32 $0x80, v27;
	v8 =	vor.u32 $0x80, v26;
	s29 =	sadd.s32 $0x400, s29;
	[tilespmem:s30+$0x190] =	vst v7;
	v2 =	vld.idx.msk [tilespmem:v2+s15+$0x0], $0xffff  }
0x13a: {  	v31 =	vor.u32 $0x80, v29;
	v32 =	vor.u32 $0x80, v22;
	v33 =	vor.u32 $0x80, v23;
	[tilespmem:s29+$0xFFFFFE70] =	vst v25;
	v1 =	vld.idx.msk [tilespmem:v1+s15+$0x0], $0xffff  }
0x13b: {  	v34 =	vor.u32 $0x100, v26;
	v35 =	vor.u32 $0x100, v27;
	v25 =	vor.u32 $0x100, v24;
	v7 =	vld.idx.msk [tilespmem:v11+s15+$0x0], $0xffff;
	[tilespmem:s30+$0x1A0] =	vst v6  }
0x13c: {  	v36 =	vor.u32 $0x100, v28;
	v37 =	vor.u32 $0x100, v29;
	v38 =	vor.u32 $0x100, v22;
	v6 =	vld.idx.msk [tilespmem:v24+s15+$0x0], $0xffff;
	[tilespmem:s30+$0x1B0] =	vst v5  }
0x13d: {  	v40 =	vor.u32 $0x100, v23;
	v39 =	vor.u32 $0x180, v24;
	v11 =	vor.u32 $0x100, v4;
	v5 =	vld.idx.msk [tilespmem:v26+s15+$0x0], $0xffff  }
0x13e: {  	v41 =	vor.u32 $0x180, v26;
	v42 =	vor.u32 $0x180, v27;
	v43 =	vor.u32 $0x180, v28;
	v12 =	vld.idx.msk [tilespmem:v27+s15+$0x0], $0xffff;
	[tilespmem:s30+$0x1C0] =	vst v3  }
0x13f: {  	v44 =	vor.u32 $0x180, v29;
	v45 =	vor.u32 $0x180, v22;
	v46 =	vor.u32 $0x180, v23;
	v3 =	vld.idx.msk [tilespmem:v28+s15+$0x0], $0xffff;
	[tilespmem:s30+$0x1D0] =	vst v2  }
0x140: {  	v48 =	vor.u32 $0x200, v26;
	v49 =	vor.u32 $0x200, v27;
	v47 =	vor.u32 $0x200, v24;
	v2 =	vld.idx.msk [tilespmem:v29+s15+$0x0], $0xffff;
	[tilespmem:s30+$0x1E0] =	vst v1;
	s30 =	smov.u32 s29  }
0x141: {  	v50 =	vor.u32 $0x200, v28;
	v51 =	vor.u32 $0x200, v29;
	v52 =	vor.u32 $0x200, v22;
	v1 =	vld.idx.msk [tilespmem:v22+s15+$0x0], $0xffff;
	[tilespmem:s29+$0xFFFFFEF0] =	vst v7  }
0x142: {  	v19 =	vor.u32 $0x280, v26;
	v54 =	vor.u32 $0x200, v23;
	v53 =	vor.u32 $0x280, v24;
	[tilespmem:s29+$0xFFFFFE00] =	vst v6;
	v55 =	vld.idx.msk [tilespmem:v11+s15+$0x0], $0xffff  }
0x143: {  	v21 =	vor.u32 $0x280, v27;
	v20 =	vor.u32 $0x280, v28;
	v16 =	vor.u32 $0x280, v29;
	[tilespmem:s29+$0xFFFFFE10] =	vst v5;
	v56 =	vld.idx.msk [tilespmem:v23+s15+$0x0], $0xffff  }
0x144: {  	v58 =	vor.u32 $0x180, v4;
	v18 =	vor.u32 $0x280, v22;
	v17 =	vor.u32 $0x280, v23;
	v57 =	vld.idx.msk [tilespmem:v9+s15+$0x0], $0xffff;
	[tilespmem:s29+$0xFFFFFE20] =	vst v12  }
0x145: {  	v14 =	vor.u32 $0x300, v26;
	v15 =	vor.u32 $0x300, v24;
	v11 =	vor.u32 $0x300, v27;
	v59 =	vld.idx.msk [tilespmem:v8+s15+$0x0], $0xffff;
	[tilespmem:s29+$0xFFFFFE30] =	vst v3  }
0x146: {  	v13 =	vor.u32 $0x300, v28;
	v12 =	vor.u32 $0x300, v29;
	v9 =	vor.u32 $0x300, v22;
	v60 =	vld.idx.msk [tilespmem:v10+s15+$0x0], $0xffff;
	[tilespmem:s29+$0xFFFFFE40] =	vst v2  }
0x147: {  	v7 =	vor.u32 $0x380, v26;
	v8 =	vor.u32 $0x380, v24;
	v10 =	vor.u32 $0x300, v23;
	v24 =	vld.idx.msk [tilespmem:v30+s15+$0x0], $0xffff;
	[tilespmem:s29+$0xFFFFFE50] =	vst v1  }
0x148: {  	v6 =	vor.u32 $0x380, v27;
	v5 =	vor.u32 $0x380, v28;
	v3 =	vor.u32 $0x380, v29;
	v26 =	vld.idx.msk [tilespmem:v31+s15+$0x0], $0xffff;
	[tilespmem:s29+$0xFFFFFF70] =	vst v55  }
0x149: {  	v2 =	vor.u32 $0x380, v22;
	v1 =	vor.u32 $0x380, v23;
	[tilespmem:s29+$0xFFFFFE60] =	vst v56;
	v22 =	vld.idx.msk [tilespmem:v58+s15+$0x0], $0xffff  }
0x14a: {  	[tilespmem:s29+$0xFFFFFE80] =	vst v57;
	v23 =	vld.idx.msk [tilespmem:v32+s15+$0x0], $0xffff  }
0x14b: {  	v28 =	vor.u32 $0x200, v4;
	[tilespmem:s29+$0xFFFFFE90] =	vst v59;
	v27 =	vld.idx.msk [tilespmem:v33+s15+$0x0], $0xffff  }
0x14c: {  	v25 =	vld.idx.msk [tilespmem:v25+s15+$0x0], $0xffff;
	[tilespmem:s29+$0xFFFFFEA0] =	vst v60  }
0x14d: {  	v29 =	vld.idx.msk [tilespmem:v34+s15+$0x0], $0xffff;
	[tilespmem:s29+$0xFFFFFEB0] =	vst v24  }
0x14e: {  	v24 =	vld.idx.msk [tilespmem:v35+s15+$0x0], $0xffff;
	[tilespmem:s29+$0xFFFFFEC0] =	vst v26  }
0x14f: {  	v26 =	vld.idx.msk [tilespmem:v36+s15+$0x0], $0xffff;
	[tilespmem:s29+$0xFFFFFFF0] =	vst v22  }
0x150: {  	[tilespmem:s29+$0xFFFFFED0] =	vst v23;
	v22 =	vld.idx.msk [tilespmem:v28+s15+$0x0], $0xffff  }
0x151: {  	v23 =	vld.idx.msk [tilespmem:v37+s15+$0x0], $0xffff;
	[tilespmem:s29+$0xFFFFFEE0] =	vst v27  }
0x152: {  	v27 =	vor.u32 $0x280, v4;
	[tilespmem:s29+$0xFFFFFF00] =	vst v25;
	v25 =	vld.idx.msk [tilespmem:v38+s15+$0x0], $0xffff  }
0x153: {  	[tilespmem:s29+$0xFFFFFF10] =	vst v29;
	v28 =	vld.idx.msk [tilespmem:v40+s15+$0x0], $0xffff  }
0x154: {  	v29 =	vld.idx.msk [tilespmem:v39+s15+$0x0], $0xffff;
	[tilespmem:s29+$0xFFFFFF20] =	vst v24  }
0x155: {  	v24 =	vld.idx.msk [tilespmem:v41+s15+$0x0], $0xffff;
	[tilespmem:s29+$0xFFFFFF30] =	vst v26  }
0x156: {  	v26 =	vld.idx.msk [tilespmem:v42+s15+$0x0], $0xffff;
	[tilespmem:s29+$0x70] =	vst v22  }
0x157: {  	[tilespmem:s29+$0xFFFFFF40] =	vst v23;
	v22 =	vld.idx.msk [tilespmem:v27+s15+$0x0], $0xffff  }
0x158: {  	v23 =	vld.idx.msk [tilespmem:v43+s15+$0x0], $0xffff;
	[tilespmem:s29+$0xFFFFFF50] =	vst v25  }
0x159: {  	v27 =	vor.u32 $0x300, v4;
	v25 =	vld.idx.msk [tilespmem:v44+s15+$0x0], $0xffff;
	[tilespmem:s29+$0xFFFFFF60] =	vst v28  }
0x15a: {  	[tilespmem:s29+$0xFFFFFF80] =	vst v29;
	v28 =	vld.idx.msk [tilespmem:v45+s15+$0x0], $0xffff  }
0x15b: {  	[tilespmem:s29+$0xFFFFFF90] =	vst v24;
	v24 =	vld.idx.msk [tilespmem:v46+s15+$0x0], $0xffff  }
0x15c: {  	v29 =	vld.idx.msk [tilespmem:v47+s15+$0x0], $0xffff;
	[tilespmem:s29+$0xFFFFFFA0] =	vst v26  }
0x15d: {  	v26 =	vld.idx.msk [tilespmem:v48+s15+$0x0], $0xffff;
	[tilespmem:s29+$0xF0] =	vst v22  }
0x15e: {  	[tilespmem:s29+$0xFFFFFFB0] =	vst v23;
	v22 =	vld.idx.msk [tilespmem:v27+s15+$0x0], $0xffff  }
0x15f: {  	v23 =	vld.idx.msk [tilespmem:v49+s15+$0x0], $0xffff;
	[tilespmem:s29+$0xFFFFFFC0] =	vst v25  }
0x160: {  	v4 =	vor.u32 $0x380, v4;
	v25 =	vld.idx.msk [tilespmem:v50+s15+$0x0], $0xffff;
	[tilespmem:s29+$0xFFFFFFD0] =	vst v28  }
0x161: {  	v27 =	vld.idx.msk [tilespmem:v51+s15+$0x0], $0xffff;
	[tilespmem:s29+$0xFFFFFFE0] =	vst v24  }
0x162: {  	[tilespmem:s29+$0x0] =	vst v29;
	v24 =	vld.idx.msk [tilespmem:v52+s15+$0x0], $0xffff  }
0x163: {  	[tilespmem:s29+$0x10] =	vst v26;
	v26 =	vld.idx.msk [tilespmem:v54+s15+$0x0], $0xffff  }
0x164: {  	v28 =	vld.idx.msk [tilespmem:v53+s15+$0x0], $0xffff;
	[tilespmem:s29+$0x170] =	vst v22  }
0x165: {  	[tilespmem:s29+$0x20] =	vst v23;
	v4 =	vld.idx.msk [tilespmem:v4+s15+$0x0], $0xffff  }
0x166: {  	v19 =	vld.idx.msk [tilespmem:v19+s15+$0x0], $0xffff;
	[tilespmem:s29+$0x30] =	vst v25  }
0x167: {  	v21 =	vld.idx.msk [tilespmem:v21+s15+$0x0], $0xffff;
	[tilespmem:s29+$0x40] =	vst v27  }
0x168: {  	v20 =	vld.idx.msk [tilespmem:v20+s15+$0x0], $0xffff;
	[tilespmem:s29+$0x50] =	vst v24  }
0x169: {  	v22 =	vld.idx.msk [tilespmem:v16+s15+$0x0], $0xffff;
	[tilespmem:s29+$0x60] =	vst v26  }
0x16a: {  	[tilespmem:s29+$0x80] =	vst v28;
	v18 =	vld.idx.msk [tilespmem:v18+s15+$0x0], $0xffff  }
0x16b: {  	v16 =	vld.idx.msk [tilespmem:v17+s15+$0x0], $0xffff;
	[tilespmem:s29+$0x1F0] =	vst v4  }
.Ltmp1:
0x16c: {  	v15 =	vld.idx.msk [tilespmem:v15+s15+$0x0], $0xffff;
	[tilespmem:s29+$0x90] =	vst v19;
	(pc) =	sbr.rel @p0 .LBB2_5-.Ltmp1, $4  }
0x16d: {  	v14 =	vld.idx.msk [tilespmem:v14+s15+$0x0], $0xffff;
	[tilespmem:s29+$0xA0] =	vst v21  }
0x16e: {  	v17 =	vld.idx.msk [tilespmem:v11+s15+$0x0], $0xffff;
	[tilespmem:s29+$0xB0] =	vst v20  }
0x16f: {  	v4 =	vld.idx.msk [tilespmem:v13+s15+$0x0], $0xffff;
	[tilespmem:s29+$0xC0] =	vst v22  }
0x170: {  	s0 =	sadd.s32 $0x80, s0;
	v11 =	vld.idx.msk [tilespmem:v12+s15+$0x0], $0xffff;
	[tilespmem:s29+$0xD0] =	vst v18  }
0x171: {  	_ =	sdelay $0x2  }
0x172: {  	[tilespmem:s29+$0xE0] =	vst v16  }
0x173: {  	[tilespmem:s29+$0x100] =	vst v15;
	v9 =	vld.idx.msk [tilespmem:v9+s15+$0x0], $0xffff  }
0x174: {  	[tilespmem:s29+$0x110] =	vst v14;
	v10 =	vld.idx.msk [tilespmem:v10+s15+$0x0], $0xffff  }
0x175: {  	v8 =	vld.idx.msk [tilespmem:v8+s15+$0x0], $0xffff;
	[tilespmem:s29+$0x120] =	vst v17  }
0x176: {  	[tilespmem:s29+$0x130] =	vst v4;
	v4 =	vld.idx.msk [tilespmem:v7+s15+$0x0], $0xffff  }
0x177: {  	v6 =	vld.idx.msk [tilespmem:v6+s15+$0x0], $0xffff;
	[tilespmem:s29+$0x140] =	vst v11  }
0x178: {  	v5 =	vld.idx.msk [tilespmem:v5+s15+$0x0], $0xffff;
	[tilespmem:s29+$0x150] =	vst v9  }
0x179: {  	v3 =	vld.idx.msk [tilespmem:v3+s15+$0x0], $0xffff;
	[tilespmem:s29+$0x160] =	vst v10  }
0x17a: {  	[tilespmem:s29+$0x180] =	vst v8;
	v2 =	vld.idx.msk [tilespmem:v2+s15+$0x0], $0xffff  }
0x17b: {  	v1 =	vld.idx.msk [tilespmem:v1+s15+$0x0], $0xffff;
	[tilespmem:s30+$0x190] =	vst v4  }
0x17c: {  	[tilespmem:s30+$0x1A0] =	vst v6  }
0x17d: {  	[tilespmem:s30+$0x1B0] =	vst v5  }
0x17e: {  	[tilespmem:s30+$0x1C0] =	vst v3  }
0x17f: {  	[tilespmem:s30+$0x1D0] =	vst v2  }
0x180: {  	s0 =	sadd.s32 s28, s10;
	p0 =	seq.s32 s24, $0x1F;
	[tilespmem:s30+$0x1E0] =	vst v1  }
0x181: {  	[hbm4b:s0+s5] =	stream.linear.scatter [tilespmem:s19], [sflag:$0x4], $0x4000, $0x38;
	[tilespmem:$0x19200] =	vst v63  }
0x182: {  	s0 =	sadd.s32 @!p0 s26, s11  }
0x183: {  	s0 =	sshll.u32 @!p0 s0, $0xC  }
0x184: {  	s0 =	sand.u32 @!p0 $0x1FFFE000, s0  }
0x185: {  	s28 =	simm.s32 @!p0 $0x1000;
	s26 =	simm.s32 @!p0 $0x0;
	s0 =	sadd.s32 @!p0 s1, s0  }
0x186: {  	[tilespmem:s28], [sflag:$0x1] =	stream.linear.gather @!p0 [hbm4b:s0+s26], $0x8000, $0x38;
	[tilespmem:$0x19200] =	vst v63  }
0x187: {  	_ =	swait.ge [sflag:s20], $0x8000  }
0x188: {  	[sflag:s20] =	ssyncset.done $0x0  }
0x189: {  	[sflag:s20] =	ssyncadd.s32 $0xFFFF8000  }
0x18a: {  	_ =	swait.ge [sflag:s21], $0x4000  }
0x18b: {  	[sflag:s21] =	ssyncset.done $0x0  }
0x18c: {  	s31 =	simm.s32 $0x40;
	[sflag:s21] =	ssyncadd.s32 $0xFFFFC000  }
0x18d: {  	v1 =	vld [tilespmem:s31+$0x30];
	_ =	sdelay $0x3  }
0x18e: {  	v2 =	vld [tilespmem:s31+$0xFFFFFFD0]  }
0x18f: {  	v3 =	vshll.u32 v1, $0x3  }
0x190: {  	v4 =	vld [tilespmem:s31+$0xFFFFFFE0];
	v1 =	vand.u32 $0x7F, v1;
	v3 =	vand.u32 $0xFFFFFC00, v3  }
0x191: {  	v6 =	vld [tilespmem:s31+$0xFFFFFFC0];
	v5 =	vor.u32 v1, v3;
	_ =	sdelay $0x1  }
0x192: {  	v3 =	vld [tilespmem:s31+$0xFFFFFFF0];
	v1 =	vshll.u32 v2, $0x3  }
0x193: {  	v8 =	vld [tilespmem:s31+$0x10];
	v2 =	vand.u32 $0x7F, v2;
	v9 =	vand.u32 $0xFFFFFC00, v1  }
0x194: {  	v7 =	vld [tilespmem:s31+$0x0];
	v1 =	vshll.u32 v4, $0x3;
	v2 =	vor.u32 v2, v9  }
0x195: {  	v12 =	vor.u32 $0x80, v5;
	v10 =	vand.u32 $0xFFFFFC00, v1;
	v1 =	vshll.u32 v6, $0x3;
	v11 =	vld.idx.msk [tilespmem:v5+s16+$0x0], $0xffff  }
0x196: {  	v13 =	vld [tilespmem:s31+$0x20];
	v4 =	vand.u32 $0x7F, v4;
	v6 =	vand.u32 $0x7F, v6;
	v1 =	vand.u32 $0xFFFFFC00, v1  }
0x197: {  	v1 =	vor.u32 v6, v1;
	v14 =	vshll.u32 v3, $0x3;
	v9 =	vand.u32 $0x7F, v3  }
0x198: {  	v3 =	vor.u32 v4, v10;
	v10 =	vshll.u32 v8, $0x3;
	v6 =	vand.u32 $0xFFFFFC00, v14  }
0x199: {  	s26 =	simm.s32 $0x11200;
	v14 =	vshll.u32 v7, $0x3;
	v4 =	vor.u32 v9, v6;
	v6 =	vand.u32 $0xFFFFFC00, v10;
	v10 =	vld.idx.msk [tilespmem:v2+s16+$0x0], $0xffff  }
0x19a: {  	v16 =	vor.u32 $0x80, v2;
	v7 =	vand.u32 $0x7F, v7;
	v14 =	vand.u32 $0xFFFFFC00, v14;
	[tilespmem:s26+$0xFFFFFE70] =	vst v11  }
0x19b: {  	v8 =	vand.u32 $0x7F, v8;
	v9 =	vshll.u32 v13, $0x3;
	v11 =	vor.u32 v7, v14;
	v7 =	vld.idx.msk [tilespmem:v12+s16+$0x0], $0xffff  }
0x19c: {  	v12 =	vor.u32 v8, v6;
	v6 =	vld.idx.msk [tilespmem:v1+s16+$0x0], $0xffff;
	v8 =	vand.u32 $0xFFFFFC00, v9;
	v9 =	vand.u32 $0x7F, v13  }
0x19d: {  	v14 =	vor.u32 $0x100, v5;
	v13 =	vor.u32 v9, v8;
	v8 =	vld.idx.msk [tilespmem:v3+s16+$0x0], $0xffff  }
0x19e: {  	v9 =	vor.u32 $0x80, v1;
	v15 =	vld.idx.msk [tilespmem:v4+s16+$0x0], $0xffff;
	[tilespmem:s26+$0xFFFFFE10] =	vst v10  }
0x19f: {  	v16 =	vld.idx.msk [tilespmem:v16+s16+$0x0], $0xffff  }
0x1a0: {  	v18 =	vor.u32 $0x80, v3;
	v17 =	vld.idx.msk [tilespmem:v11+s16+$0x0], $0xffff  }
0x1a1: {  	v19 =	vld.idx.msk [tilespmem:v12+s16+$0x0], $0xffff;
	[tilespmem:s26+$0xFFFFFEF0] =	vst v7;
	v7 =	vor.u32 $0x80, v4  }
0x1a2: {  	[tilespmem:s26+$0xFFFFFE00] =	vst v6;
	v6 =	vld.idx.msk [tilespmem:v14+s16+$0x0], $0xffff;
	v14 =	vor.u32 $0x80, v11  }
0x1a3: {  	v20 =	vor.u32 $0x80, v12;
	v9 =	vld.idx.msk [tilespmem:v9+s16+$0x0], $0xffff;
	[tilespmem:s26+$0xFFFFFE20] =	vst v8  }
0x1a4: {  	v10 =	vld.idx.msk [tilespmem:v13+s16+$0x0], $0xffff;
	v8 =	vor.u32 $0x180, v5;
	[tilespmem:s26+$0xFFFFFE30] =	vst v15  }
0x1a5: {  	v15 =	vor.u32 $0x80, v13;
	v18 =	vld.idx.msk [tilespmem:v18+s16+$0x0], $0xffff;
	[tilespmem:s26+$0xFFFFFE40] =	vst v17  }
0x1a6: {  	v17 =	vor.u32 $0x100, v1;
	v7 =	vld.idx.msk [tilespmem:v7+s16+$0x0], $0xffff;
	[tilespmem:s26+$0xFFFFFE50] =	vst v19  }
0x1a7: {  	v19 =	vor.u32 $0x100, v2;
	v14 =	vld.idx.msk [tilespmem:v14+s16+$0x0], $0xffff;
	[tilespmem:s26+$0xFFFFFF70] =	vst v6  }
0x1a8: {  	v6 =	vor.u32 $0x100, v3;
	[tilespmem:s26+$0xFFFFFE80] =	vst v9;
	v9 =	vld.idx.msk [tilespmem:v20+s16+$0x0], $0xffff  }
0x1a9: {  	[tilespmem:s26+$0xFFFFFE60] =	vst v10;
	v10 =	vor.u32 $0x100, v4;
	v8 =	vld.idx.msk [tilespmem:v8+s16+$0x0], $0xffff  }
0x1aa: {  	v61 =	vor.u32 $0x100, v11;
	[tilespmem:s26+$0xFFFFFE90] =	vst v16;
	v15 =	vld.idx.msk [tilespmem:v15+s16+$0x0], $0xffff  }
0x1ab: {  	[tilespmem:s26+$0xFFFFFEA0] =	vst v18;
	v18 =	vor.u32 $0x100, v12;
	v17 =	vld.idx.msk [tilespmem:v17+s16+$0x0], $0xffff  }
0x1ac: {  	v16 =	vor.u32 $0x200, v5;
	v19 =	vld.idx.msk [tilespmem:v19+s16+$0x0], $0xffff;
	[tilespmem:s26+$0xFFFFFEB0] =	vst v7  }
0x1ad: {  	v7 =	vor.u32 $0x100, v13;
	v6 =	vld.idx.msk [tilespmem:v6+s16+$0x0], $0xffff;
	[tilespmem:s26+$0xFFFFFEC0] =	vst v14  }
0x1ae: {  	v14 =	vor.u32 $0x180, v1;
	v10 =	vld.idx.msk [tilespmem:v10+s16+$0x0], $0xffff;
	[tilespmem:s26+$0xFFFFFED0] =	vst v9  }
0x1af: {  	[tilespmem:s26+$0xFFFFFFF0] =	vst v8;
	v8 =	vor.u32 $0x180, v2;
	v20 =	vld.idx.msk [tilespmem:v61+s16+$0x0], $0xffff  }
0x1b0: {  	[tilespmem:s26+$0xFFFFFEE0] =	vst v15;
	v15 =	vld.idx.msk [tilespmem:v18+s16+$0x0], $0xffff;
	v18 =	vor.u32 $0x180, v4  }
0x1b1: {  	v9 =	vld.idx.msk [tilespmem:v16+s16+$0x0], $0xffff;
	v16 =	vor.u32 $0x180, v3;
	[tilespmem:s26+$0xFFFFFF00] =	vst v17  }
0x1b2: {  	v17 =	vor.u32 $0x280, v5;
	[tilespmem:s26+$0xFFFFFF10] =	vst v19;
	v7 =	vld.idx.msk [tilespmem:v7+s16+$0x0], $0xffff  }
0x1b3: {  	v19 =	vor.u32 $0x180, v11;
	v14 =	vld.idx.msk [tilespmem:v14+s16+$0x0], $0xffff;
	[tilespmem:s26+$0xFFFFFF20] =	vst v6  }
0x1b4: {  	v6 =	vor.u32 $0x180, v12;
	[tilespmem:s26+$0xFFFFFF30] =	vst v10;
	v8 =	vld.idx.msk [tilespmem:v8+s16+$0x0], $0xffff  }
0x1b5: {  	v10 =	vor.u32 $0x180, v13;
	[tilespmem:s26+$0xFFFFFF40] =	vst v20;
	v18 =	vld.idx.msk [tilespmem:v18+s16+$0x0], $0xffff  }
0x1b6: {  	v16 =	vld.idx.msk [tilespmem:v16+s16+$0x0], $0xffff;
	[tilespmem:s26+$0x70] =	vst v9;
	v9 =	vor.u32 $0x200, v1  }
0x1b7: {  	v62 =	vor.u32 $0x200, v2;
	[tilespmem:s26+$0xFFFFFF50] =	vst v15;
	v17 =	vld.idx.msk [tilespmem:v17+s16+$0x0], $0xffff  }
0x1b8: {  	v15 =	vld.idx.msk [tilespmem:v19+s16+$0x0], $0xffff;
	[tilespmem:s26+$0xFFFFFF60] =	vst v7;
	v7 =	vor.u32 $0x300, v5  }
0x1b9: {  	v19 =	vor.u32 $0x200, v3;
	[tilespmem:s26+$0xFFFFFF80] =	vst v14;
	v6 =	vld.idx.msk [tilespmem:v6+s16+$0x0], $0xffff  }
0x1ba: {  	v14 =	vor.u32 $0x200, v4;
	[tilespmem:s26+$0xFFFFFF90] =	vst v8;
	v8 =	vld.idx.msk [tilespmem:v10+s16+$0x0], $0xffff  }
0x1bb: {  	v10 =	vor.u32 $0x200, v11;
	v9 =	vld.idx.msk [tilespmem:v9+s16+$0x0], $0xffff;
	[tilespmem:s26+$0xFFFFFFA0] =	vst v16  }
0x1bc: {  	v16 =	vor.u32 $0x200, v12;
	v20 =	vld.idx.msk [tilespmem:v62+s16+$0x0], $0xffff;
	[tilespmem:s26+$0xF0] =	vst v17  }
0x1bd: {  	[tilespmem:s26+$0xFFFFFFB0] =	vst v18;
	v17 =	vor.u32 $0x200, v13;
	v7 =	vld.idx.msk [tilespmem:v7+s16+$0x0], $0xffff  }
0x1be: {  	v18 =	vor.u32 $0x280, v1;
	v19 =	vld.idx.msk [tilespmem:v19+s16+$0x0], $0xffff;
	[tilespmem:s26+$0xFFFFFFC0] =	vst v15  }
0x1bf: {  	v5 =	vor.u32 $0x380, v5;
	v14 =	vld.idx.msk [tilespmem:v14+s16+$0x0], $0xffff;
	[tilespmem:s26+$0xFFFFFFD0] =	vst v6  }
0x1c0: {  	v6 =	vor.u32 $0x280, v2;
	v10 =	vld.idx.msk [tilespmem:v10+s16+$0x0], $0xffff;
	[tilespmem:s26+$0xFFFFFFE0] =	vst v8  }
0x1c1: {  	v8 =	vor.u32 $0x280, v3;
	[tilespmem:s26+$0x0] =	vst v9;
	v9 =	vld.idx.msk [tilespmem:v16+s16+$0x0], $0xffff  }
0x1c2: {  	v15 =	vor.u32 $0x280, v4;
	[tilespmem:s26+$0x10] =	vst v20;
	v16 =	vld.idx.msk [tilespmem:v17+s16+$0x0], $0xffff  }
0x1c3: {  	v17 =	vor.u32 $0x280, v11;
	v18 =	vld.idx.msk [tilespmem:v18+s16+$0x0], $0xffff;
	[tilespmem:s26+$0x170] =	vst v7  }
0x1c4: {  	v7 =	vor.u32 $0x280, v12;
	[tilespmem:s26+$0x20] =	vst v19;
	v5 =	vld.idx.msk [tilespmem:v5+s16+$0x0], $0xffff  }
0x1c5: {  	v19 =	vor.u32 $0x280, v13;
	v6 =	vld.idx.msk [tilespmem:v6+s16+$0x0], $0xffff;
	[tilespmem:s26+$0x30] =	vst v14  }
0x1c6: {  	v14 =	vor.u32 $0x300, v1;
	v8 =	vld.idx.msk [tilespmem:v8+s16+$0x0], $0xffff;
	[tilespmem:s26+$0x40] =	vst v10  }
0x1c7: {  	v10 =	vor.u32 $0x300, v2;
	v63 =	vld.idx.msk [tilespmem:v15+s16+$0x0], $0xffff;
	[tilespmem:s26+$0x50] =	vst v9  }
0x1c8: {  	v21 =	vor.u32 $0x300, v3;
	v22 =	vld.idx.msk [tilespmem:v17+s16+$0x0], $0xffff;
	[tilespmem:s26+$0x60] =	vst v16  }
0x1c9: {  	v23 =	vor.u32 $0x300, v4;
	[tilespmem:s26+$0x80] =	vst v18;
	v18 =	vld.idx.msk [tilespmem:v7+s16+$0x0], $0xffff  }
0x1ca: {  	v24 =	vor.u32 $0x300, v11;
	v16 =	vld.idx.msk [tilespmem:v19+s16+$0x0], $0xffff;
	[tilespmem:s26+$0x1F0] =	vst v5  }
0x1cb: {  	v15 =	vld.idx.msk [tilespmem:v14+s16+$0x0], $0xffff;
	[tilespmem:s26+$0x90] =	vst v6  }
0x1cc: {  	v14 =	vld.idx.msk [tilespmem:v10+s16+$0x0], $0xffff;
	[tilespmem:s26+$0xA0] =	vst v8  }
0x1cd: {  	v9 =	vor.u32 $0x300, v12;
	v7 =	vor.u32 $0x380, v2;
	v2 =	vor.u32 $0x380, v12;
	[tilespmem:s26+$0xB0] =	vst v63;
	v17 =	vld.idx.msk [tilespmem:v21+s16+$0x0], $0xffff  }
0x1ce: {  	v6 =	vor.u32 $0x380, v3;
	v5 =	vor.u32 $0x380, v4;
	v3 =	vor.u32 $0x380, v11;
	v4 =	vld.idx.msk [tilespmem:v23+s16+$0x0], $0xffff;
	[tilespmem:s26+$0xC0] =	vst v22  }
0x1cf: {  	s29 =	simm.s32 $0x0;
	s0 =	simm.s32 $0xC0;
	s28 =	simm.s32 $0x11200;
	v8 =	vor.u32 $0x380, v1;
	v10 =	vor.u32 $0x300, v13;
	v1 =	vor.u32 $0x380, v13;
	v11 =	vld.idx.msk [tilespmem:v24+s16+$0x0], $0xffff;
	[tilespmem:s26+$0xD0] =	vst v18  }
.LBB2_7:
0x1d0: {  	v12 =	vld [tilespmem:s0+$0x30];
	s29 =	sadd.s32 $0x8, s29;
	[tilespmem:s26+$0xE0] =	vst v16  }
0x1d1: {  	v13 =	vld [tilespmem:s0+$0xFFFFFFD0];
	p0 =	slt.u32 s29, $0x78;
	[tilespmem:s26+$0x100] =	vst v15  }
0x1d2: {  	v15 =	vld [tilespmem:s0+$0xFFFFFFE0];
	[tilespmem:s26+$0x110] =	vst v14  }
0x1d3: {  	v14 =	vld [tilespmem:s0+$0xFFFFFFF0];
	[tilespmem:s26+$0x120] =	vst v17  }
0x1d4: {  	v16 =	vld [tilespmem:s0+$0x0];
	[tilespmem:s26+$0x130] =	vst v4  }
0x1d5: {  	v17 =	vld [tilespmem:s0+$0x10];
	v4 =	vshll.u32 v12, $0x3;
	[tilespmem:s26+$0x140] =	vst v11  }
0x1d6: {  	v12 =	vand.u32 $0x7F, v12;
	v11 =	vshll.u32 v13, $0x3;
	v18 =	vld [tilespmem:s0+$0x20];
	v4 =	vand.u32 $0xFFFFFC00, v4  }
0x1d7: {  	v19 =	vld [tilespmem:s0+$0xFFFFFFC0];
	v11 =	vand.u32 $0xFFFFFC00, v11;
	v20 =	vshll.u32 v15, $0x3;
	v4 =	vor.u32 v12, v4  }
0x1d8: {  	v12 =	vand.u32 $0x7F, v13;
	v13 =	vand.u32 $0xFFFFFC00, v20;
	v20 =	vshll.u32 v14, $0x3;
	v9 =	vld.idx.msk [tilespmem:v9+s16+$0x0], $0xffff  }
0x1d9: {  	v15 =	vand.u32 $0x7F, v15;
	v20 =	vand.u32 $0xFFFFFC00, v20;
	v21 =	vshll.u32 v16, $0x3;
	v10 =	vld.idx.msk [tilespmem:v10+s16+$0x0], $0xffff  }
0x1da: {  	v14 =	vand.u32 $0x7F, v14;
	v21 =	vand.u32 $0xFFFFFC00, v21;
	v22 =	vshll.u32 v17, $0x3;
	v8 =	vld.idx.msk [tilespmem:v8+s16+$0x0], $0xffff  }
0x1db: {  	v16 =	vand.u32 $0x7F, v16;
	v22 =	vand.u32 $0xFFFFFC00, v22;
	v23 =	vshll.u32 v18, $0x3;
	v7 =	vld.idx.msk [tilespmem:v7+s16+$0x0], $0xffff  }
0x1dc: {  	v24 =	vand.u32 $0x7F, v19;
	v19 =	vshll.u32 v19, $0x3;
	v23 =	vand.u32 $0xFFFFFC00, v23;
	v25 =	vld.idx.msk [tilespmem:v4+s16+$0x0], $0xffff  }
0x1dd: {  	v17 =	vand.u32 $0x7F, v17;
	v18 =	vand.u32 $0x7F, v18;
	v19 =	vand.u32 $0xFFFFFC00, v19;
	v6 =	vld.idx.msk [tilespmem:v6+s16+$0x0], $0xffff  }
0x1de: {  	v26 =	vor.u32 v12, v11;
	v11 =	vor.u32 $0x80, v4;
	v24 =	vor.u32 v24, v19;
	v5 =	vld.idx.msk [tilespmem:v5+s16+$0x0], $0xffff;
	[tilespmem:s26+$0x150] =	vst v9  }
0x1df: {  	v27 =	vor.u32 v15, v13;
	v28 =	vor.u32 v14, v20;
	v29 =	vor.u32 v16, v21;
	[tilespmem:s26+$0x160] =	vst v10  }
0x1e0: {  	v22 =	vor.u32 v17, v22;
	v23 =	vor.u32 v18, v23;
	v9 =	vor.u32 $0x80, v24;
	[tilespmem:s26+$0x180] =	vst v8;
	v3 =	vld.idx.msk [tilespmem:v3+s16+$0x0], $0xffff  }
0x1e1: {  	v30 =	vor.u32 $0x80, v28;
	v10 =	vor.u32 $0x80, v27;
	v8 =	vor.u32 $0x80, v26;
	s26 =	sadd.s32 $0x400, s26;
	[tilespmem:s28+$0x190] =	vst v7;
	v2 =	vld.idx.msk [tilespmem:v2+s16+$0x0], $0xffff  }
0x1e2: {  	v31 =	vor.u32 $0x80, v29;
	v32 =	vor.u32 $0x80, v22;
	v33 =	vor.u32 $0x80, v23;
	[tilespmem:s26+$0xFFFFFE70] =	vst v25;
	v1 =	vld.idx.msk [tilespmem:v1+s16+$0x0], $0xffff  }
0x1e3: {  	v34 =	vor.u32 $0x100, v26;
	v35 =	vor.u32 $0x100, v27;
	v25 =	vor.u32 $0x100, v24;
	v7 =	vld.idx.msk [tilespmem:v11+s16+$0x0], $0xffff;
	[tilespmem:s28+$0x1A0] =	vst v6  }
0x1e4: {  	v36 =	vor.u32 $0x100, v28;
	v37 =	vor.u32 $0x100, v29;
	v38 =	vor.u32 $0x100, v22;
	v6 =	vld.idx.msk [tilespmem:v24+s16+$0x0], $0xffff;
	[tilespmem:s28+$0x1B0] =	vst v5  }
0x1e5: {  	v40 =	vor.u32 $0x100, v23;
	v39 =	vor.u32 $0x180, v24;
	v11 =	vor.u32 $0x100, v4;
	v5 =	vld.idx.msk [tilespmem:v26+s16+$0x0], $0xffff  }
0x1e6: {  	v41 =	vor.u32 $0x180, v26;
	v42 =	vor.u32 $0x180, v27;
	v43 =	vor.u32 $0x180, v28;
	v12 =	vld.idx.msk [tilespmem:v27+s16+$0x0], $0xffff;
	[tilespmem:s28+$0x1C0] =	vst v3  }
0x1e7: {  	v44 =	vor.u32 $0x180, v29;
	v45 =	vor.u32 $0x180, v22;
	v46 =	vor.u32 $0x180, v23;
	v3 =	vld.idx.msk [tilespmem:v28+s16+$0x0], $0xffff;
	[tilespmem:s28+$0x1D0] =	vst v2  }
0x1e8: {  	v48 =	vor.u32 $0x200, v26;
	v49 =	vor.u32 $0x200, v27;
	v47 =	vor.u32 $0x200, v24;
	v2 =	vld.idx.msk [tilespmem:v29+s16+$0x0], $0xffff;
	[tilespmem:s28+$0x1E0] =	vst v1;
	s28 =	smov.u32 s26  }
0x1e9: {  	v50 =	vor.u32 $0x200, v28;
	v51 =	vor.u32 $0x200, v29;
	v52 =	vor.u32 $0x200, v22;
	v1 =	vld.idx.msk [tilespmem:v22+s16+$0x0], $0xffff;
	[tilespmem:s26+$0xFFFFFEF0] =	vst v7  }
0x1ea: {  	v19 =	vor.u32 $0x280, v26;
	v54 =	vor.u32 $0x200, v23;
	v53 =	vor.u32 $0x280, v24;
	[tilespmem:s26+$0xFFFFFE00] =	vst v6;
	v55 =	vld.idx.msk [tilespmem:v11+s16+$0x0], $0xffff  }
0x1eb: {  	v21 =	vor.u32 $0x280, v27;
	v20 =	vor.u32 $0x280, v28;
	v16 =	vor.u32 $0x280, v29;
	[tilespmem:s26+$0xFFFFFE10] =	vst v5;
	v56 =	vld.idx.msk [tilespmem:v23+s16+$0x0], $0xffff  }
0x1ec: {  	v58 =	vor.u32 $0x180, v4;
	v18 =	vor.u32 $0x280, v22;
	v17 =	vor.u32 $0x280, v23;
	v57 =	vld.idx.msk [tilespmem:v9+s16+$0x0], $0xffff;
	[tilespmem:s26+$0xFFFFFE20] =	vst v12  }
0x1ed: {  	v14 =	vor.u32 $0x300, v26;
	v15 =	vor.u32 $0x300, v24;
	v11 =	vor.u32 $0x300, v27;
	v59 =	vld.idx.msk [tilespmem:v8+s16+$0x0], $0xffff;
	[tilespmem:s26+$0xFFFFFE30] =	vst v3  }
0x1ee: {  	v13 =	vor.u32 $0x300, v28;
	v12 =	vor.u32 $0x300, v29;
	v9 =	vor.u32 $0x300, v22;
	v60 =	vld.idx.msk [tilespmem:v10+s16+$0x0], $0xffff;
	[tilespmem:s26+$0xFFFFFE40] =	vst v2  }
0x1ef: {  	v7 =	vor.u32 $0x380, v26;
	v8 =	vor.u32 $0x380, v24;
	v10 =	vor.u32 $0x300, v23;
	v24 =	vld.idx.msk [tilespmem:v30+s16+$0x0], $0xffff;
	[tilespmem:s26+$0xFFFFFE50] =	vst v1  }
0x1f0: {  	v6 =	vor.u32 $0x380, v27;
	v5 =	vor.u32 $0x380, v28;
	v3 =	vor.u32 $0x380, v29;
	v26 =	vld.idx.msk [tilespmem:v31+s16+$0x0], $0xffff;
	[tilespmem:s26+$0xFFFFFF70] =	vst v55  }
0x1f1: {  	v2 =	vor.u32 $0x380, v22;
	v1 =	vor.u32 $0x380, v23;
	[tilespmem:s26+$0xFFFFFE60] =	vst v56;
	v22 =	vld.idx.msk [tilespmem:v58+s16+$0x0], $0xffff  }
0x1f2: {  	[tilespmem:s26+$0xFFFFFE80] =	vst v57;
	v23 =	vld.idx.msk [tilespmem:v32+s16+$0x0], $0xffff  }
0x1f3: {  	v28 =	vor.u32 $0x200, v4;
	[tilespmem:s26+$0xFFFFFE90] =	vst v59;
	v27 =	vld.idx.msk [tilespmem:v33+s16+$0x0], $0xffff  }
0x1f4: {  	v25 =	vld.idx.msk [tilespmem:v25+s16+$0x0], $0xffff;
	[tilespmem:s26+$0xFFFFFEA0] =	vst v60  }
0x1f5: {  	v29 =	vld.idx.msk [tilespmem:v34+s16+$0x0], $0xffff;
	[tilespmem:s26+$0xFFFFFEB0] =	vst v24  }
0x1f6: {  	v24 =	vld.idx.msk [tilespmem:v35+s16+$0x0], $0xffff;
	[tilespmem:s26+$0xFFFFFEC0] =	vst v26  }
0x1f7: {  	v26 =	vld.idx.msk [tilespmem:v36+s16+$0x0], $0xffff;
	[tilespmem:s26+$0xFFFFFFF0] =	vst v22  }
0x1f8: {  	[tilespmem:s26+$0xFFFFFED0] =	vst v23;
	v22 =	vld.idx.msk [tilespmem:v28+s16+$0x0], $0xffff  }
0x1f9: {  	v23 =	vld.idx.msk [tilespmem:v37+s16+$0x0], $0xffff;
	[tilespmem:s26+$0xFFFFFEE0] =	vst v27  }
0x1fa: {  	v27 =	vor.u32 $0x280, v4;
	[tilespmem:s26+$0xFFFFFF00] =	vst v25;
	v25 =	vld.idx.msk [tilespmem:v38+s16+$0x0], $0xffff  }
0x1fb: {  	[tilespmem:s26+$0xFFFFFF10] =	vst v29;
	v28 =	vld.idx.msk [tilespmem:v40+s16+$0x0], $0xffff  }
0x1fc: {  	v29 =	vld.idx.msk [tilespmem:v39+s16+$0x0], $0xffff;
	[tilespmem:s26+$0xFFFFFF20] =	vst v24  }
0x1fd: {  	v24 =	vld.idx.msk [tilespmem:v41+s16+$0x0], $0xffff;
	[tilespmem:s26+$0xFFFFFF30] =	vst v26  }
0x1fe: {  	v26 =	vld.idx.msk [tilespmem:v42+s16+$0x0], $0xffff;
	[tilespmem:s26+$0x70] =	vst v22  }
0x1ff: {  	[tilespmem:s26+$0xFFFFFF40] =	vst v23;
	v22 =	vld.idx.msk [tilespmem:v27+s16+$0x0], $0xffff  }
0x200: {  	v23 =	vld.idx.msk [tilespmem:v43+s16+$0x0], $0xffff;
	[tilespmem:s26+$0xFFFFFF50] =	vst v25  }
0x201: {  	v27 =	vor.u32 $0x300, v4;
	v25 =	vld.idx.msk [tilespmem:v44+s16+$0x0], $0xffff;
	[tilespmem:s26+$0xFFFFFF60] =	vst v28  }
0x202: {  	[tilespmem:s26+$0xFFFFFF80] =	vst v29;
	v28 =	vld.idx.msk [tilespmem:v45+s16+$0x0], $0xffff  }
0x203: {  	[tilespmem:s26+$0xFFFFFF90] =	vst v24;
	v24 =	vld.idx.msk [tilespmem:v46+s16+$0x0], $0xffff  }
0x204: {  	v29 =	vld.idx.msk [tilespmem:v47+s16+$0x0], $0xffff;
	[tilespmem:s26+$0xFFFFFFA0] =	vst v26  }
0x205: {  	v26 =	vld.idx.msk [tilespmem:v48+s16+$0x0], $0xffff;
	[tilespmem:s26+$0xF0] =	vst v22  }
0x206: {  	[tilespmem:s26+$0xFFFFFFB0] =	vst v23;
	v22 =	vld.idx.msk [tilespmem:v27+s16+$0x0], $0xffff  }
0x207: {  	v23 =	vld.idx.msk [tilespmem:v49+s16+$0x0], $0xffff;
	[tilespmem:s26+$0xFFFFFFC0] =	vst v25  }
0x208: {  	v4 =	vor.u32 $0x380, v4;
	v25 =	vld.idx.msk [tilespmem:v50+s16+$0x0], $0xffff;
	[tilespmem:s26+$0xFFFFFFD0] =	vst v28  }
0x209: {  	v27 =	vld.idx.msk [tilespmem:v51+s16+$0x0], $0xffff;
	[tilespmem:s26+$0xFFFFFFE0] =	vst v24  }
0x20a: {  	[tilespmem:s26+$0x0] =	vst v29;
	v24 =	vld.idx.msk [tilespmem:v52+s16+$0x0], $0xffff  }
0x20b: {  	[tilespmem:s26+$0x10] =	vst v26;
	v26 =	vld.idx.msk [tilespmem:v54+s16+$0x0], $0xffff  }
0x20c: {  	v28 =	vld.idx.msk [tilespmem:v53+s16+$0x0], $0xffff;
	[tilespmem:s26+$0x170] =	vst v22  }
0x20d: {  	[tilespmem:s26+$0x20] =	vst v23;
	v4 =	vld.idx.msk [tilespmem:v4+s16+$0x0], $0xffff  }
0x20e: {  	v19 =	vld.idx.msk [tilespmem:v19+s16+$0x0], $0xffff;
	[tilespmem:s26+$0x30] =	vst v25  }
0x20f: {  	v21 =	vld.idx.msk [tilespmem:v21+s16+$0x0], $0xffff;
	[tilespmem:s26+$0x40] =	vst v27  }
0x210: {  	v20 =	vld.idx.msk [tilespmem:v20+s16+$0x0], $0xffff;
	[tilespmem:s26+$0x50] =	vst v24  }
0x211: {  	v22 =	vld.idx.msk [tilespmem:v16+s16+$0x0], $0xffff;
	[tilespmem:s26+$0x60] =	vst v26  }
0x212: {  	[tilespmem:s26+$0x80] =	vst v28;
	v18 =	vld.idx.msk [tilespmem:v18+s16+$0x0], $0xffff  }
0x213: {  	v16 =	vld.idx.msk [tilespmem:v17+s16+$0x0], $0xffff;
	[tilespmem:s26+$0x1F0] =	vst v4  }
.Ltmp2:
0x214: {  	v15 =	vld.idx.msk [tilespmem:v15+s16+$0x0], $0xffff;
	[tilespmem:s26+$0x90] =	vst v19;
	(pc) =	sbr.rel @p0 .LBB2_7-.Ltmp2, $4  }
0x215: {  	v14 =	vld.idx.msk [tilespmem:v14+s16+$0x0], $0xffff;
	[tilespmem:s26+$0xA0] =	vst v21  }
0x216: {  	v17 =	vld.idx.msk [tilespmem:v11+s16+$0x0], $0xffff;
	[tilespmem:s26+$0xB0] =	vst v20  }
0x217: {  	v4 =	vld.idx.msk [tilespmem:v13+s16+$0x0], $0xffff;
	[tilespmem:s26+$0xC0] =	vst v22  }
0x218: {  	s0 =	sadd.s32 $0x80, s0;
	v11 =	vld.idx.msk [tilespmem:v12+s16+$0x0], $0xffff;
	[tilespmem:s26+$0xD0] =	vst v18  }
0x219: {  	_ =	sdelay $0x2  }
0x21a: {  	[tilespmem:s26+$0xE0] =	vst v16  }
0x21b: {  	[tilespmem:s26+$0x100] =	vst v15;
	v9 =	vld.idx.msk [tilespmem:v9+s16+$0x0], $0xffff  }
0x21c: {  	[tilespmem:s26+$0x110] =	vst v14;
	v10 =	vld.idx.msk [tilespmem:v10+s16+$0x0], $0xffff  }
0x21d: {  	v8 =	vld.idx.msk [tilespmem:v8+s16+$0x0], $0xffff;
	[tilespmem:s26+$0x120] =	vst v17  }
0x21e: {  	[tilespmem:s26+$0x130] =	vst v4;
	v4 =	vld.idx.msk [tilespmem:v7+s16+$0x0], $0xffff  }
0x21f: {  	v6 =	vld.idx.msk [tilespmem:v6+s16+$0x0], $0xffff;
	[tilespmem:s26+$0x140] =	vst v11  }
0x220: {  	v5 =	vld.idx.msk [tilespmem:v5+s16+$0x0], $0xffff;
	[tilespmem:s26+$0x150] =	vst v9  }
0x221: {  	v3 =	vld.idx.msk [tilespmem:v3+s16+$0x0], $0xffff;
	[tilespmem:s26+$0x160] =	vst v10  }
0x222: {  	[tilespmem:s26+$0x180] =	vst v8;
	v2 =	vld.idx.msk [tilespmem:v2+s16+$0x0], $0xffff  }
0x223: {  	v1 =	vld.idx.msk [tilespmem:v1+s16+$0x0], $0xffff;
	[tilespmem:s28+$0x190] =	vst v4  }
0x224: {  	[tilespmem:s28+$0x1A0] =	vst v6  }
0x225: {  	[tilespmem:s28+$0x1B0] =	vst v5  }
0x226: {  	[tilespmem:s28+$0x1C0] =	vst v3  }
0x227: {  	[tilespmem:s28+$0x1D0] =	vst v2  }
0x228: {  	s0 =	sadd.s32 s4, s25;
	[tilespmem:s28+$0x1E0] =	vst v1  }
0x229: {  	[hbm4b:s0+s5] =	stream.linear.scatter [tilespmem:s18], [sflag:$0x3], $0x4000, $0x38;
	[tilespmem:$0x19200] =	vst v63  }
0x22a: {  	_ =	swait.ge [sflag:s22], $0x4000  }
0x22b: {  	[sflag:s22] =	ssyncset.done $0x0  }
0x22c: {  	s31 =	simm.s32 $0x870;
	[sflag:s22] =	ssyncadd.s32 $0xFFFFC000  }
0x22d: {  	v1 =	vld [tilespmem:s31+$0x0];
	_ =	sdelay $0x3  }
0x22e: {  	v2 =	vld [tilespmem:s31+$0xFFFFFFA0]  }
0x22f: {  	v3 =	vshll.u32 v1, $0x3  }
0x230: {  	v4 =	vld [tilespmem:s31+$0xFFFFFFB0];
	v1 =	vand.u32 $0x7F, v1;
	v3 =	vand.u32 $0xFFFFFC00, v3  }
0x231: {  	v6 =	vld [tilespmem:s31+$0xFFFFFF90];
	v5 =	vor.u32 v1, v3;
	_ =	sdelay $0x1  }
0x232: {  	v3 =	vld [tilespmem:s31+$0xFFFFFFC0];
	v1 =	vshll.u32 v2, $0x3  }
0x233: {  	v8 =	vld [tilespmem:s31+$0xFFFFFFE0];
	v2 =	vand.u32 $0x7F, v2;
	v9 =	vand.u32 $0xFFFFFC00, v1  }
0x234: {  	v7 =	vld [tilespmem:s31+$0xFFFFFFD0];
	v1 =	vshll.u32 v4, $0x3;
	v2 =	vor.u32 v2, v9  }
0x235: {  	v12 =	vor.u32 $0x80, v5;
	v10 =	vand.u32 $0xFFFFFC00, v1;
	v1 =	vshll.u32 v6, $0x3;
	v11 =	vld.idx.msk [tilespmem:v5+s16+$0x0], $0xffff  }
0x236: {  	v13 =	vld [tilespmem:s31+$0xFFFFFFF0];
	v4 =	vand.u32 $0x7F, v4;
	v6 =	vand.u32 $0x7F, v6;
	v1 =	vand.u32 $0xFFFFFC00, v1  }
0x237: {  	v1 =	vor.u32 v6, v1;
	v14 =	vshll.u32 v3, $0x3;
	v9 =	vand.u32 $0x7F, v3  }
0x238: {  	v3 =	vor.u32 v4, v10;
	v10 =	vshll.u32 v8, $0x3;
	v6 =	vand.u32 $0xFFFFFC00, v14  }
0x239: {  	s26 =	simm.s32 $0x15200;
	v14 =	vshll.u32 v7, $0x3;
	v4 =	vor.u32 v9, v6;
	v6 =	vand.u32 $0xFFFFFC00, v10;
	v10 =	vld.idx.msk [tilespmem:v2+s16+$0x0], $0xffff  }
0x23a: {  	v16 =	vor.u32 $0x80, v2;
	v7 =	vand.u32 $0x7F, v7;
	v14 =	vand.u32 $0xFFFFFC00, v14;
	[tilespmem:s26+$0xFFFFFE70] =	vst v11  }
0x23b: {  	v8 =	vand.u32 $0x7F, v8;
	v9 =	vshll.u32 v13, $0x3;
	v11 =	vor.u32 v7, v14;
	v7 =	vld.idx.msk [tilespmem:v12+s16+$0x0], $0xffff  }
0x23c: {  	v12 =	vor.u32 v8, v6;
	v6 =	vld.idx.msk [tilespmem:v1+s16+$0x0], $0xffff;
	v8 =	vand.u32 $0xFFFFFC00, v9;
	v9 =	vand.u32 $0x7F, v13  }
0x23d: {  	v14 =	vor.u32 $0x100, v5;
	v13 =	vor.u32 v9, v8;
	v8 =	vld.idx.msk [tilespmem:v3+s16+$0x0], $0xffff  }
0x23e: {  	v9 =	vor.u32 $0x80, v1;
	v15 =	vld.idx.msk [tilespmem:v4+s16+$0x0], $0xffff;
	[tilespmem:s26+$0xFFFFFE10] =	vst v10  }
0x23f: {  	v16 =	vld.idx.msk [tilespmem:v16+s16+$0x0], $0xffff  }
0x240: {  	v18 =	vor.u32 $0x80, v3;
	v17 =	vld.idx.msk [tilespmem:v11+s16+$0x0], $0xffff  }
0x241: {  	v19 =	vld.idx.msk [tilespmem:v12+s16+$0x0], $0xffff;
	[tilespmem:s26+$0xFFFFFEF0] =	vst v7;
	v7 =	vor.u32 $0x80, v4  }
0x242: {  	[tilespmem:s26+$0xFFFFFE00] =	vst v6;
	v6 =	vld.idx.msk [tilespmem:v14+s16+$0x0], $0xffff;
	v14 =	vor.u32 $0x80, v11  }
0x243: {  	v20 =	vor.u32 $0x80, v12;
	v9 =	vld.idx.msk [tilespmem:v9+s16+$0x0], $0xffff;
	[tilespmem:s26+$0xFFFFFE20] =	vst v8  }
0x244: {  	v10 =	vld.idx.msk [tilespmem:v13+s16+$0x0], $0xffff;
	v8 =	vor.u32 $0x180, v5;
	[tilespmem:s26+$0xFFFFFE30] =	vst v15  }
0x245: {  	v15 =	vor.u32 $0x80, v13;
	v18 =	vld.idx.msk [tilespmem:v18+s16+$0x0], $0xffff;
	[tilespmem:s26+$0xFFFFFE40] =	vst v17  }
0x246: {  	v17 =	vor.u32 $0x100, v1;
	v7 =	vld.idx.msk [tilespmem:v7+s16+$0x0], $0xffff;
	[tilespmem:s26+$0xFFFFFE50] =	vst v19  }
0x247: {  	v19 =	vor.u32 $0x100, v2;
	v14 =	vld.idx.msk [tilespmem:v14+s16+$0x0], $0xffff;
	[tilespmem:s26+$0xFFFFFF70] =	vst v6  }
0x248: {  	v6 =	vor.u32 $0x100, v3;
	[tilespmem:s26+$0xFFFFFE80] =	vst v9;
	v9 =	vld.idx.msk [tilespmem:v20+s16+$0x0], $0xffff  }
0x249: {  	[tilespmem:s26+$0xFFFFFE60] =	vst v10;
	v10 =	vor.u32 $0x100, v4;
	v8 =	vld.idx.msk [tilespmem:v8+s16+$0x0], $0xffff  }
0x24a: {  	v61 =	vor.u32 $0x100, v11;
	[tilespmem:s26+$0xFFFFFE90] =	vst v16;
	v15 =	vld.idx.msk [tilespmem:v15+s16+$0x0], $0xffff  }
0x24b: {  	[tilespmem:s26+$0xFFFFFEA0] =	vst v18;
	v18 =	vor.u32 $0x100, v12;
	v17 =	vld.idx.msk [tilespmem:v17+s16+$0x0], $0xffff  }
0x24c: {  	v16 =	vor.u32 $0x200, v5;
	v19 =	vld.idx.msk [tilespmem:v19+s16+$0x0], $0xffff;
	[tilespmem:s26+$0xFFFFFEB0] =	vst v7  }
0x24d: {  	v7 =	vor.u32 $0x100, v13;
	v6 =	vld.idx.msk [tilespmem:v6+s16+$0x0], $0xffff;
	[tilespmem:s26+$0xFFFFFEC0] =	vst v14  }
0x24e: {  	v14 =	vor.u32 $0x180, v1;
	v10 =	vld.idx.msk [tilespmem:v10+s16+$0x0], $0xffff;
	[tilespmem:s26+$0xFFFFFED0] =	vst v9  }
0x24f: {  	[tilespmem:s26+$0xFFFFFFF0] =	vst v8;
	v8 =	vor.u32 $0x180, v2;
	v20 =	vld.idx.msk [tilespmem:v61+s16+$0x0], $0xffff  }
0x250: {  	[tilespmem:s26+$0xFFFFFEE0] =	vst v15;
	v15 =	vld.idx.msk [tilespmem:v18+s16+$0x0], $0xffff;
	v18 =	vor.u32 $0x180, v4  }
0x251: {  	v9 =	vld.idx.msk [tilespmem:v16+s16+$0x0], $0xffff;
	v16 =	vor.u32 $0x180, v3;
	[tilespmem:s26+$0xFFFFFF00] =	vst v17  }
0x252: {  	v17 =	vor.u32 $0x280, v5;
	[tilespmem:s26+$0xFFFFFF10] =	vst v19;
	v7 =	vld.idx.msk [tilespmem:v7+s16+$0x0], $0xffff  }
0x253: {  	v19 =	vor.u32 $0x180, v11;
	v14 =	vld.idx.msk [tilespmem:v14+s16+$0x0], $0xffff;
	[tilespmem:s26+$0xFFFFFF20] =	vst v6  }
0x254: {  	v6 =	vor.u32 $0x180, v12;
	[tilespmem:s26+$0xFFFFFF30] =	vst v10;
	v8 =	vld.idx.msk [tilespmem:v8+s16+$0x0], $0xffff  }
0x255: {  	v10 =	vor.u32 $0x180, v13;
	[tilespmem:s26+$0xFFFFFF40] =	vst v20;
	v18 =	vld.idx.msk [tilespmem:v18+s16+$0x0], $0xffff  }
0x256: {  	v16 =	vld.idx.msk [tilespmem:v16+s16+$0x0], $0xffff;
	[tilespmem:s26+$0x70] =	vst v9;
	v9 =	vor.u32 $0x200, v1  }
0x257: {  	v62 =	vor.u32 $0x200, v2;
	[tilespmem:s26+$0xFFFFFF50] =	vst v15;
	v17 =	vld.idx.msk [tilespmem:v17+s16+$0x0], $0xffff  }
0x258: {  	v15 =	vld.idx.msk [tilespmem:v19+s16+$0x0], $0xffff;
	[tilespmem:s26+$0xFFFFFF60] =	vst v7;
	v7 =	vor.u32 $0x300, v5  }
0x259: {  	v19 =	vor.u32 $0x200, v3;
	[tilespmem:s26+$0xFFFFFF80] =	vst v14;
	v6 =	vld.idx.msk [tilespmem:v6+s16+$0x0], $0xffff  }
0x25a: {  	v14 =	vor.u32 $0x200, v4;
	[tilespmem:s26+$0xFFFFFF90] =	vst v8;
	v8 =	vld.idx.msk [tilespmem:v10+s16+$0x0], $0xffff  }
0x25b: {  	v10 =	vor.u32 $0x200, v11;
	v9 =	vld.idx.msk [tilespmem:v9+s16+$0x0], $0xffff;
	[tilespmem:s26+$0xFFFFFFA0] =	vst v16  }
0x25c: {  	v16 =	vor.u32 $0x200, v12;
	v20 =	vld.idx.msk [tilespmem:v62+s16+$0x0], $0xffff;
	[tilespmem:s26+$0xF0] =	vst v17  }
0x25d: {  	[tilespmem:s26+$0xFFFFFFB0] =	vst v18;
	v17 =	vor.u32 $0x200, v13;
	v7 =	vld.idx.msk [tilespmem:v7+s16+$0x0], $0xffff  }
0x25e: {  	v18 =	vor.u32 $0x280, v1;
	v19 =	vld.idx.msk [tilespmem:v19+s16+$0x0], $0xffff;
	[tilespmem:s26+$0xFFFFFFC0] =	vst v15  }
0x25f: {  	v5 =	vor.u32 $0x380, v5;
	v14 =	vld.idx.msk [tilespmem:v14+s16+$0x0], $0xffff;
	[tilespmem:s26+$0xFFFFFFD0] =	vst v6  }
0x260: {  	v6 =	vor.u32 $0x280, v2;
	v10 =	vld.idx.msk [tilespmem:v10+s16+$0x0], $0xffff;
	[tilespmem:s26+$0xFFFFFFE0] =	vst v8  }
0x261: {  	v8 =	vor.u32 $0x280, v3;
	[tilespmem:s26+$0x0] =	vst v9;
	v9 =	vld.idx.msk [tilespmem:v16+s16+$0x0], $0xffff  }
0x262: {  	v15 =	vor.u32 $0x280, v4;
	[tilespmem:s26+$0x10] =	vst v20;
	v16 =	vld.idx.msk [tilespmem:v17+s16+$0x0], $0xffff  }
0x263: {  	v17 =	vor.u32 $0x280, v11;
	v18 =	vld.idx.msk [tilespmem:v18+s16+$0x0], $0xffff;
	[tilespmem:s26+$0x170] =	vst v7  }
0x264: {  	v7 =	vor.u32 $0x280, v12;
	[tilespmem:s26+$0x20] =	vst v19;
	v5 =	vld.idx.msk [tilespmem:v5+s16+$0x0], $0xffff  }
0x265: {  	v19 =	vor.u32 $0x280, v13;
	v6 =	vld.idx.msk [tilespmem:v6+s16+$0x0], $0xffff;
	[tilespmem:s26+$0x30] =	vst v14  }
0x266: {  	v14 =	vor.u32 $0x300, v1;
	v8 =	vld.idx.msk [tilespmem:v8+s16+$0x0], $0xffff;
	[tilespmem:s26+$0x40] =	vst v10  }
0x267: {  	v10 =	vor.u32 $0x300, v2;
	v63 =	vld.idx.msk [tilespmem:v15+s16+$0x0], $0xffff;
	[tilespmem:s26+$0x50] =	vst v9  }
0x268: {  	v21 =	vor.u32 $0x300, v3;
	v22 =	vld.idx.msk [tilespmem:v17+s16+$0x0], $0xffff;
	[tilespmem:s26+$0x60] =	vst v16  }
0x269: {  	v23 =	vor.u32 $0x300, v4;
	[tilespmem:s26+$0x80] =	vst v18;
	v18 =	vld.idx.msk [tilespmem:v7+s16+$0x0], $0xffff  }
0x26a: {  	v24 =	vor.u32 $0x300, v11;
	v16 =	vld.idx.msk [tilespmem:v19+s16+$0x0], $0xffff;
	[tilespmem:s26+$0x1F0] =	vst v5  }
0x26b: {  	v15 =	vld.idx.msk [tilespmem:v14+s16+$0x0], $0xffff;
	[tilespmem:s26+$0x90] =	vst v6  }
0x26c: {  	v14 =	vld.idx.msk [tilespmem:v10+s16+$0x0], $0xffff;
	[tilespmem:s26+$0xA0] =	vst v8  }
0x26d: {  	v9 =	vor.u32 $0x300, v12;
	v7 =	vor.u32 $0x380, v2;
	v2 =	vor.u32 $0x380, v12;
	[tilespmem:s26+$0xB0] =	vst v63;
	v17 =	vld.idx.msk [tilespmem:v21+s16+$0x0], $0xffff  }
0x26e: {  	v6 =	vor.u32 $0x380, v3;
	v5 =	vor.u32 $0x380, v4;
	v3 =	vor.u32 $0x380, v11;
	v4 =	vld.idx.msk [tilespmem:v23+s16+$0x0], $0xffff;
	[tilespmem:s26+$0xC0] =	vst v22  }
0x26f: {  	s29 =	simm.s32 $0x0;
	s28 =	simm.s32 $0x15200;
	s0 =	simm.s32 $0x8F0;
	v8 =	vor.u32 $0x380, v1;
	v10 =	vor.u32 $0x300, v13;
	v1 =	vor.u32 $0x380, v13;
	v11 =	vld.idx.msk [tilespmem:v24+s16+$0x0], $0xffff;
	[tilespmem:s26+$0xD0] =	vst v18  }
.LBB2_9:
0x270: {  	v12 =	vld [tilespmem:s0+$0x0];
	s29 =	sadd.s32 $0x8, s29;
	[tilespmem:s26+$0xE0] =	vst v16  }
0x271: {  	v13 =	vld [tilespmem:s0+$0xFFFFFFA0];
	p0 =	slt.u32 s29, $0x78;
	[tilespmem:s26+$0x100] =	vst v15  }
0x272: {  	v15 =	vld [tilespmem:s0+$0xFFFFFFB0];
	[tilespmem:s26+$0x110] =	vst v14  }
0x273: {  	v14 =	vld [tilespmem:s0+$0xFFFFFFC0];
	[tilespmem:s26+$0x120] =	vst v17  }
0x274: {  	v16 =	vld [tilespmem:s0+$0xFFFFFFD0];
	[tilespmem:s26+$0x130] =	vst v4  }
0x275: {  	v17 =	vld [tilespmem:s0+$0xFFFFFFE0];
	v4 =	vshll.u32 v12, $0x3;
	[tilespmem:s26+$0x140] =	vst v11  }
0x276: {  	v12 =	vand.u32 $0x7F, v12;
	v11 =	vshll.u32 v13, $0x3;
	v18 =	vld [tilespmem:s0+$0xFFFFFFF0];
	v4 =	vand.u32 $0xFFFFFC00, v4  }
0x277: {  	v19 =	vld [tilespmem:s0+$0xFFFFFF90];
	v11 =	vand.u32 $0xFFFFFC00, v11;
	v20 =	vshll.u32 v15, $0x3;
	v4 =	vor.u32 v12, v4  }
0x278: {  	v12 =	vand.u32 $0x7F, v13;
	v13 =	vand.u32 $0xFFFFFC00, v20;
	v20 =	vshll.u32 v14, $0x3;
	v9 =	vld.idx.msk [tilespmem:v9+s16+$0x0], $0xffff  }
0x279: {  	v15 =	vand.u32 $0x7F, v15;
	v20 =	vand.u32 $0xFFFFFC00, v20;
	v21 =	vshll.u32 v16, $0x3;
	v10 =	vld.idx.msk [tilespmem:v10+s16+$0x0], $0xffff  }
0x27a: {  	v14 =	vand.u32 $0x7F, v14;
	v21 =	vand.u32 $0xFFFFFC00, v21;
	v22 =	vshll.u32 v17, $0x3;
	v8 =	vld.idx.msk [tilespmem:v8+s16+$0x0], $0xffff  }
0x27b: {  	v16 =	vand.u32 $0x7F, v16;
	v22 =	vand.u32 $0xFFFFFC00, v22;
	v23 =	vshll.u32 v18, $0x3;
	v7 =	vld.idx.msk [tilespmem:v7+s16+$0x0], $0xffff  }
0x27c: {  	v24 =	vand.u32 $0x7F, v19;
	v19 =	vshll.u32 v19, $0x3;
	v23 =	vand.u32 $0xFFFFFC00, v23;
	v25 =	vld.idx.msk [tilespmem:v4+s16+$0x0], $0xffff  }
0x27d: {  	v17 =	vand.u32 $0x7F, v17;
	v18 =	vand.u32 $0x7F, v18;
	v19 =	vand.u32 $0xFFFFFC00, v19;
	v6 =	vld.idx.msk [tilespmem:v6+s16+$0x0], $0xffff  }
0x27e: {  	v26 =	vor.u32 v12, v11;
	v11 =	vor.u32 $0x80, v4;
	v24 =	vor.u32 v24, v19;
	v5 =	vld.idx.msk [tilespmem:v5+s16+$0x0], $0xffff;
	[tilespmem:s26+$0x150] =	vst v9  }
0x27f: {  	v27 =	vor.u32 v15, v13;
	v28 =	vor.u32 v14, v20;
	v29 =	vor.u32 v16, v21;
	[tilespmem:s26+$0x160] =	vst v10  }
0x280: {  	v22 =	vor.u32 v17, v22;
	v23 =	vor.u32 v18, v23;
	v9 =	vor.u32 $0x80, v24;
	[tilespmem:s26+$0x180] =	vst v8;
	v3 =	vld.idx.msk [tilespmem:v3+s16+$0x0], $0xffff  }
0x281: {  	v30 =	vor.u32 $0x80, v28;
	v10 =	vor.u32 $0x80, v27;
	v8 =	vor.u32 $0x80, v26;
	s26 =	sadd.s32 $0x400, s26;
	[tilespmem:s28+$0x190] =	vst v7;
	v2 =	vld.idx.msk [tilespmem:v2+s16+$0x0], $0xffff  }
0x282: {  	v31 =	vor.u32 $0x80, v29;
	v32 =	vor.u32 $0x80, v22;
	v33 =	vor.u32 $0x80, v23;
	[tilespmem:s26+$0xFFFFFE70] =	vst v25;
	v1 =	vld.idx.msk [tilespmem:v1+s16+$0x0], $0xffff  }
0x283: {  	v34 =	vor.u32 $0x100, v26;
	v35 =	vor.u32 $0x100, v27;
	v25 =	vor.u32 $0x100, v24;
	v7 =	vld.idx.msk [tilespmem:v11+s16+$0x0], $0xffff;
	[tilespmem:s28+$0x1A0] =	vst v6  }
0x284: {  	v36 =	vor.u32 $0x100, v28;
	v37 =	vor.u32 $0x100, v29;
	v38 =	vor.u32 $0x100, v22;
	v6 =	vld.idx.msk [tilespmem:v24+s16+$0x0], $0xffff;
	[tilespmem:s28+$0x1B0] =	vst v5  }
0x285: {  	v40 =	vor.u32 $0x100, v23;
	v39 =	vor.u32 $0x180, v24;
	v11 =	vor.u32 $0x100, v4;
	v5 =	vld.idx.msk [tilespmem:v26+s16+$0x0], $0xffff  }
0x286: {  	v41 =	vor.u32 $0x180, v26;
	v42 =	vor.u32 $0x180, v27;
	v43 =	vor.u32 $0x180, v28;
	v12 =	vld.idx.msk [tilespmem:v27+s16+$0x0], $0xffff;
	[tilespmem:s28+$0x1C0] =	vst v3  }
0x287: {  	v44 =	vor.u32 $0x180, v29;
	v45 =	vor.u32 $0x180, v22;
	v46 =	vor.u32 $0x180, v23;
	v3 =	vld.idx.msk [tilespmem:v28+s16+$0x0], $0xffff;
	[tilespmem:s28+$0x1D0] =	vst v2  }
0x288: {  	v48 =	vor.u32 $0x200, v26;
	v49 =	vor.u32 $0x200, v27;
	v47 =	vor.u32 $0x200, v24;
	v2 =	vld.idx.msk [tilespmem:v29+s16+$0x0], $0xffff;
	[tilespmem:s28+$0x1E0] =	vst v1;
	s28 =	smov.u32 s26  }
0x289: {  	v50 =	vor.u32 $0x200, v28;
	v51 =	vor.u32 $0x200, v29;
	v52 =	vor.u32 $0x200, v22;
	v1 =	vld.idx.msk [tilespmem:v22+s16+$0x0], $0xffff;
	[tilespmem:s26+$0xFFFFFEF0] =	vst v7  }
0x28a: {  	v19 =	vor.u32 $0x280, v26;
	v54 =	vor.u32 $0x200, v23;
	v53 =	vor.u32 $0x280, v24;
	[tilespmem:s26+$0xFFFFFE00] =	vst v6;
	v55 =	vld.idx.msk [tilespmem:v11+s16+$0x0], $0xffff  }
0x28b: {  	v21 =	vor.u32 $0x280, v27;
	v20 =	vor.u32 $0x280, v28;
	v16 =	vor.u32 $0x280, v29;
	[tilespmem:s26+$0xFFFFFE10] =	vst v5;
	v56 =	vld.idx.msk [tilespmem:v23+s16+$0x0], $0xffff  }
0x28c: {  	v58 =	vor.u32 $0x180, v4;
	v18 =	vor.u32 $0x280, v22;
	v17 =	vor.u32 $0x280, v23;
	v57 =	vld.idx.msk [tilespmem:v9+s16+$0x0], $0xffff;
	[tilespmem:s26+$0xFFFFFE20] =	vst v12  }
0x28d: {  	v14 =	vor.u32 $0x300, v26;
	v15 =	vor.u32 $0x300, v24;
	v11 =	vor.u32 $0x300, v27;
	v59 =	vld.idx.msk [tilespmem:v8+s16+$0x0], $0xffff;
	[tilespmem:s26+$0xFFFFFE30] =	vst v3  }
0x28e: {  	v13 =	vor.u32 $0x300, v28;
	v12 =	vor.u32 $0x300, v29;
	v9 =	vor.u32 $0x300, v22;
	v60 =	vld.idx.msk [tilespmem:v10+s16+$0x0], $0xffff;
	[tilespmem:s26+$0xFFFFFE40] =	vst v2  }
0x28f: {  	v7 =	vor.u32 $0x380, v26;
	v8 =	vor.u32 $0x380, v24;
	v10 =	vor.u32 $0x300, v23;
	v24 =	vld.idx.msk [tilespmem:v30+s16+$0x0], $0xffff;
	[tilespmem:s26+$0xFFFFFE50] =	vst v1  }
0x290: {  	v6 =	vor.u32 $0x380, v27;
	v5 =	vor.u32 $0x380, v28;
	v3 =	vor.u32 $0x380, v29;
	v26 =	vld.idx.msk [tilespmem:v31+s16+$0x0], $0xffff;
	[tilespmem:s26+$0xFFFFFF70] =	vst v55  }
0x291: {  	v2 =	vor.u32 $0x380, v22;
	v1 =	vor.u32 $0x380, v23;
	[tilespmem:s26+$0xFFFFFE60] =	vst v56;
	v22 =	vld.idx.msk [tilespmem:v58+s16+$0x0], $0xffff  }
0x292: {  	[tilespmem:s26+$0xFFFFFE80] =	vst v57;
	v23 =	vld.idx.msk [tilespmem:v32+s16+$0x0], $0xffff  }
0x293: {  	v28 =	vor.u32 $0x200, v4;
	[tilespmem:s26+$0xFFFFFE90] =	vst v59;
	v27 =	vld.idx.msk [tilespmem:v33+s16+$0x0], $0xffff  }
0x294: {  	v25 =	vld.idx.msk [tilespmem:v25+s16+$0x0], $0xffff;
	[tilespmem:s26+$0xFFFFFEA0] =	vst v60  }
0x295: {  	v29 =	vld.idx.msk [tilespmem:v34+s16+$0x0], $0xffff;
	[tilespmem:s26+$0xFFFFFEB0] =	vst v24  }
0x296: {  	v24 =	vld.idx.msk [tilespmem:v35+s16+$0x0], $0xffff;
	[tilespmem:s26+$0xFFFFFEC0] =	vst v26  }
0x297: {  	v26 =	vld.idx.msk [tilespmem:v36+s16+$0x0], $0xffff;
	[tilespmem:s26+$0xFFFFFFF0] =	vst v22  }
0x298: {  	[tilespmem:s26+$0xFFFFFED0] =	vst v23;
	v22 =	vld.idx.msk [tilespmem:v28+s16+$0x0], $0xffff  }
0x299: {  	v23 =	vld.idx.msk [tilespmem:v37+s16+$0x0], $0xffff;
	[tilespmem:s26+$0xFFFFFEE0] =	vst v27  }
0x29a: {  	v27 =	vor.u32 $0x280, v4;
	[tilespmem:s26+$0xFFFFFF00] =	vst v25;
	v25 =	vld.idx.msk [tilespmem:v38+s16+$0x0], $0xffff  }
0x29b: {  	[tilespmem:s26+$0xFFFFFF10] =	vst v29;
	v28 =	vld.idx.msk [tilespmem:v40+s16+$0x0], $0xffff  }
0x29c: {  	v29 =	vld.idx.msk [tilespmem:v39+s16+$0x0], $0xffff;
	[tilespmem:s26+$0xFFFFFF20] =	vst v24  }
0x29d: {  	v24 =	vld.idx.msk [tilespmem:v41+s16+$0x0], $0xffff;
	[tilespmem:s26+$0xFFFFFF30] =	vst v26  }
0x29e: {  	v26 =	vld.idx.msk [tilespmem:v42+s16+$0x0], $0xffff;
	[tilespmem:s26+$0x70] =	vst v22  }
0x29f: {  	[tilespmem:s26+$0xFFFFFF40] =	vst v23;
	v22 =	vld.idx.msk [tilespmem:v27+s16+$0x0], $0xffff  }
0x2a0: {  	v23 =	vld.idx.msk [tilespmem:v43+s16+$0x0], $0xffff;
	[tilespmem:s26+$0xFFFFFF50] =	vst v25  }
0x2a1: {  	v27 =	vor.u32 $0x300, v4;
	v25 =	vld.idx.msk [tilespmem:v44+s16+$0x0], $0xffff;
	[tilespmem:s26+$0xFFFFFF60] =	vst v28  }
0x2a2: {  	[tilespmem:s26+$0xFFFFFF80] =	vst v29;
	v28 =	vld.idx.msk [tilespmem:v45+s16+$0x0], $0xffff  }
0x2a3: {  	[tilespmem:s26+$0xFFFFFF90] =	vst v24;
	v24 =	vld.idx.msk [tilespmem:v46+s16+$0x0], $0xffff  }
0x2a4: {  	v29 =	vld.idx.msk [tilespmem:v47+s16+$0x0], $0xffff;
	[tilespmem:s26+$0xFFFFFFA0] =	vst v26  }
0x2a5: {  	v26 =	vld.idx.msk [tilespmem:v48+s16+$0x0], $0xffff;
	[tilespmem:s26+$0xF0] =	vst v22  }
0x2a6: {  	[tilespmem:s26+$0xFFFFFFB0] =	vst v23;
	v22 =	vld.idx.msk [tilespmem:v27+s16+$0x0], $0xffff  }
0x2a7: {  	v23 =	vld.idx.msk [tilespmem:v49+s16+$0x0], $0xffff;
	[tilespmem:s26+$0xFFFFFFC0] =	vst v25  }
0x2a8: {  	v4 =	vor.u32 $0x380, v4;
	v25 =	vld.idx.msk [tilespmem:v50+s16+$0x0], $0xffff;
	[tilespmem:s26+$0xFFFFFFD0] =	vst v28  }
0x2a9: {  	v27 =	vld.idx.msk [tilespmem:v51+s16+$0x0], $0xffff;
	[tilespmem:s26+$0xFFFFFFE0] =	vst v24  }
0x2aa: {  	[tilespmem:s26+$0x0] =	vst v29;
	v24 =	vld.idx.msk [tilespmem:v52+s16+$0x0], $0xffff  }
0x2ab: {  	[tilespmem:s26+$0x10] =	vst v26;
	v26 =	vld.idx.msk [tilespmem:v54+s16+$0x0], $0xffff  }
0x2ac: {  	v28 =	vld.idx.msk [tilespmem:v53+s16+$0x0], $0xffff;
	[tilespmem:s26+$0x170] =	vst v22  }
0x2ad: {  	[tilespmem:s26+$0x20] =	vst v23;
	v4 =	vld.idx.msk [tilespmem:v4+s16+$0x0], $0xffff  }
0x2ae: {  	v19 =	vld.idx.msk [tilespmem:v19+s16+$0x0], $0xffff;
	[tilespmem:s26+$0x30] =	vst v25  }
0x2af: {  	v21 =	vld.idx.msk [tilespmem:v21+s16+$0x0], $0xffff;
	[tilespmem:s26+$0x40] =	vst v27  }
0x2b0: {  	v20 =	vld.idx.msk [tilespmem:v20+s16+$0x0], $0xffff;
	[tilespmem:s26+$0x50] =	vst v24  }
0x2b1: {  	v22 =	vld.idx.msk [tilespmem:v16+s16+$0x0], $0xffff;
	[tilespmem:s26+$0x60] =	vst v26  }
0x2b2: {  	[tilespmem:s26+$0x80] =	vst v28;
	v18 =	vld.idx.msk [tilespmem:v18+s16+$0x0], $0xffff  }
0x2b3: {  	v16 =	vld.idx.msk [tilespmem:v17+s16+$0x0], $0xffff;
	[tilespmem:s26+$0x1F0] =	vst v4  }
.Ltmp3:
0x2b4: {  	v15 =	vld.idx.msk [tilespmem:v15+s16+$0x0], $0xffff;
	[tilespmem:s26+$0x90] =	vst v19;
	(pc) =	sbr.rel @p0 .LBB2_9-.Ltmp3, $4  }
0x2b5: {  	v14 =	vld.idx.msk [tilespmem:v14+s16+$0x0], $0xffff;
	[tilespmem:s26+$0xA0] =	vst v21  }
0x2b6: {  	v17 =	vld.idx.msk [tilespmem:v11+s16+$0x0], $0xffff;
	[tilespmem:s26+$0xB0] =	vst v20  }
0x2b7: {  	v4 =	vld.idx.msk [tilespmem:v13+s16+$0x0], $0xffff;
	[tilespmem:s26+$0xC0] =	vst v22  }
0x2b8: {  	s0 =	sadd.s32 $0x80, s0;
	v11 =	vld.idx.msk [tilespmem:v12+s16+$0x0], $0xffff;
	[tilespmem:s26+$0xD0] =	vst v18  }
0x2b9: {  	_ =	sdelay $0x2  }
0x2ba: {  	[tilespmem:s26+$0xE0] =	vst v16  }
0x2bb: {  	[tilespmem:s26+$0x100] =	vst v15;
	v9 =	vld.idx.msk [tilespmem:v9+s16+$0x0], $0xffff  }
0x2bc: {  	[tilespmem:s26+$0x110] =	vst v14;
	v10 =	vld.idx.msk [tilespmem:v10+s16+$0x0], $0xffff  }
0x2bd: {  	v8 =	vld.idx.msk [tilespmem:v8+s16+$0x0], $0xffff;
	[tilespmem:s26+$0x120] =	vst v17  }
0x2be: {  	v63 =	vld.idx.msk [tilespmem:v7+s16+$0x0], $0xffff;
	[tilespmem:s26+$0x130] =	vst v4  }
0x2bf: {  	v6 =	vld.idx.msk [tilespmem:v6+s16+$0x0], $0xffff;
	[tilespmem:s26+$0x140] =	vst v11  }
0x2c0: {  	v5 =	vld.idx.msk [tilespmem:v5+s16+$0x0], $0xffff;
	[tilespmem:s26+$0x150] =	vst v9  }
0x2c1: {  	v3 =	vld.idx.msk [tilespmem:v3+s16+$0x0], $0xffff;
	[tilespmem:s26+$0x160] =	vst v10  }
0x2c2: {  	[tilespmem:s26+$0x180] =	vst v8;
	v2 =	vld.idx.msk [tilespmem:v2+s16+$0x0], $0xffff  }
0x2c3: {  	s24 =	sadd.s32 $0x1, s24;
	[tilespmem:s28+$0x190] =	vst v63;
	v1 =	vld.idx.msk [tilespmem:v1+s16+$0x0], $0xffff  }
0x2c4: {  	p0 =	sne.s32 s24, $0x20;
	[tilespmem:s28+$0x1A0] =	vst v6  }
.Ltmp4:
0x2c5: {  	[tilespmem:s28+$0x1B0] =	vst v5;
	(pc) =	sbr.rel @p0 .LBB2_2-.Ltmp4, $4  }
0x2c6: {  	[tilespmem:s28+$0x1C0] =	vst v3  }
0x2c7: {  	[tilespmem:s28+$0x1D0] =	vst v2  }
0x2c8: {  	s0 =	sadd.s32 s25, s10;
	[tilespmem:s28+$0x1E0] =	vst v1  }
0x2c9: {  	[hbm4b:s0+s5] =	stream.linear.scatter [tilespmem:s19], [sflag:$0x4], $0x4000, $0x38;
	[tilespmem:$0x19200] =	vst v63  }
0x2ca: {  	s23 =	sadd.s32 $0x1, s23  }
0x2cb: {  	_ =	swait.ge [sflag:s21], $0x4000;
	p0 =	sne.s32 s23, s12  }
.Ltmp5:
0x2cc: {  	[sflag:s21] =	ssyncset.done $0x0;
	(pc) =	sbr.rel @p0 .LBB2_1-.Ltmp5, $4  }
0x2cd: {  	[sflag:s21] =	ssyncadd.s32 $0xFFFFC000  }
0x2ce: {  	_ =	swait.ge [sflag:s22], $0x4000  }
0x2cf: {  	[sflag:s22] =	ssyncset.done $0x0  }
0x2d0: {  	[sflag:s22] =	ssyncadd.s32 $0xFFFFC000  }
0x2d1: {  	_ =	sfence.sel $0x180000  }
0x2d2: {  	[bflag:$0x0] =	sbarrier.arrive $0xFFFF  }
0x2d3: {  	_ =	strace $0x90000047  }
0x2d4: {  	[bflag:$0x2] =	sbarrier.arrive $0xFFFF  }
0x2d5: {  	p0 =	sne.s32 s3, $0x0;
	s0 =	rddreg [dreg:$0x4]  }
0x2d6: {  	s0 =	sadd.s32 @!p0 $0x100000, s0  }
0x2d7: {  	[sflag:s0] =	ssyncadd.tile.s32 @!p0 $0x1;
	_ =	shalt  }
.Lfunc_end2:
_tile_overlayer_lowered:
.L_overlay_start_2:
0x2d8: {  	(tag) =	ssettag $0x2  }
0x2d9: {  	s0 =	rddreg [dreg:$0x0];
	s2 =	stileid.u32  }
0x2da: {  	s1 =	rddreg [dreg:$0x1];
	p0 =	sne.s32 s2, $0x0  }
0x2db: {  	s3 =	rddreg [dreg:$0x2];
	[bflag:$0x3] =	sbarrier.arrive $0xFFFF;
	s2 =	simm.s32 @!p0 $0x1C05  }
0x2dc: {  	[timem:s3], [sflag:s2] =	dma.local @!p0 [hbm:s0], s1  }
0x2dd: {  	s0 =	simm.s32 @!p0 $0x5  }
0x2de: {  	_ =	swait.ge @!p0 [sflag:s0], s1  }
0x2df: {  	s1 =	ssub.s32 @!p0 $0x0, s1;
	[sflag:s0] =	ssyncset.done @!p0 $0x0  }
0x2e0: {  	[sflag:s0] =	ssyncadd.s32 @!p0 s1  }
0x2e1: {  	[bflag:$0x3] =	sbarrier.arrive $0xFFFF  }
0x2e2: {  	_ =	shalt  }

</sc_bundles>
